<compile_context>
chip_gen: v7x
topology: tpu7x:2x2x1
jax: 0.10.2.dev20260603
libtpu: 0.0.44.dev20260713+nightly
codegen_flags: <defaults>
</compile_context>

<pallas_src>
import functools

import jax
import jax.numpy as jnp
from jax import lax
from jax.experimental import pallas as pl
from jax.experimental.pallas import tpu as pltpu
from jax.experimental.pallas import tpu_sc as plsc

B = 8
T = 4096
D = 512
TT = 4095
NT = 1365
NW = 32
CTR = 3
NCHUNK = NT // CTR
FULL_PAIRS = 7
TBASE = NW * 2 * FULL_PAIRS * CTR
KR = CTR * B
GROUPS = (0, 8)

_mesh = plsc.VectorSubcoreMesh(
    core_axis_name="c", subcore_axis_name="s", num_cores=2, num_subcores=16
)


@functools.partial(
    pl.kernel,
    mesh=_mesh,
    out_type=jax.ShapeDtypeStruct((NT, B, 5 * D), jnp.float32),
    scratch_types=[
        pltpu.VMEM((5, KR), jnp.int32),
        pltpu.VMEM((5, KR), jnp.int32),
        pltpu.VMEM((KR, 5 * D), jnp.float32),
        pltpu.VMEM((KR, 5 * D), jnp.float32),
        pltpu.SemaphoreType.DMA,
        pltpu.SemaphoreType.DMA,
        pltpu.SemaphoreType.DMA,
        pltpu.SemaphoreType.DMA,
    ],
)
def _splice_gather(feats_hbm, out_hbm, idx0_v, idx1_v, rows0_v, rows1_v,
                   sem_g0, sem_g1, sem_o0, sem_o1):
    wid = lax.axis_index("s") * 2 + lax.axis_index("c")
    lanes = lax.iota(jnp.int32, 16)

    pats = []
    for off in GROUPS:
        pos = off + lanes
        tloc = lax.shift_right_logical(pos, 3)
        bpat = (pos - tloc * B) * T
        pats.append((3 * tloc, bpat))

    def fill_idx(idx_v, cc):
        s0 = cc * (3 * CTR)
        for (t3, bpat), off in zip(pats, GROUPS):
            for kk in range(5):
                idx_v[kk, pl.ds(off, 16)] = (
                    bpat + jnp.clip(s0 + t3 + (kk - 2), 0, TT - 1))

    def start_gather(idx_v, rows_v, sem, cc):
        fill_idx(idx_v, cc)
        for kk in range(5):
            pltpu.async_copy(feats_hbm.at[idx_v.at[kk]],
                             rows_v.at[:, pl.ds(kk * D, D)], sem)

    def wait_gather(idx_v, rows_v, sem):
        for kk in range(5):
            pltpu.make_async_copy(feats_hbm.at[idx_v.at[kk]],
                                  rows_v.at[:, pl.ds(kk * D, D)], sem).wait()

    def start_put(rows_v, sem, cc):
        pltpu.async_copy(rows_v.reshape(CTR, B, 5 * D),
                         out_hbm.at[pl.ds(cc * CTR, CTR)], sem)

    def wait_put(rows_v, sem):
        pltpu.make_async_copy(rows_v.reshape(CTR, B, 5 * D),
                              out_hbm.at[pl.ds(0, CTR)], sem).wait()

    def chunk(j):
        return wid + j * NW

    start_gather(idx0_v, rows0_v, sem_g0, chunk(0))

    @pl.loop(0, FULL_PAIRS)
    def _pair(m):
        @pl.when(m > 0)
        def _():
            wait_put(rows1_v, sem_o1)

        start_gather(idx1_v, rows1_v, sem_g1, chunk(2 * m + 1))
        wait_gather(idx0_v, rows0_v, sem_g0)
        start_put(rows0_v, sem_o0, chunk(2 * m))

        @pl.when(m < FULL_PAIRS - 1)
        def _():
            wait_put(rows0_v, sem_o0)
            start_gather(idx0_v, rows0_v, sem_g0, chunk(2 * m + 2))

        wait_gather(idx1_v, rows1_v, sem_g1)
        start_put(rows1_v, sem_o1, chunk(2 * m + 1))

    wait_put(rows1_v, sem_o1)
    wait_put(rows0_v, sem_o0)

    @pl.when(wid < NT - TBASE)
    def _():
        tr = TBASE + wid
        for kk in range(5):
            idx0_v[kk, pl.ds(0, 16)] = (
                lanes * T + jnp.clip(3 * tr + (kk - 2), 0, TT - 1))
        for kk in range(5):
            pltpu.async_copy(feats_hbm.at[idx0_v.at[kk, pl.ds(0, B)]],
                             rows0_v.at[pl.ds(0, B), pl.ds(kk * D, D)],
                             sem_g0)
        for kk in range(5):
            pltpu.make_async_copy(feats_hbm.at[idx0_v.at[kk, pl.ds(0, B)]],
                                  rows0_v.at[pl.ds(0, B), pl.ds(kk * D, D)],
                                  sem_g0).wait()
        pltpu.async_copy(rows0_v.at[pl.ds(0, B)], out_hbm.at[tr], sem_o0)
        pltpu.make_async_copy(rows0_v.at[pl.ds(0, B)], out_hbm.at[tr],
                              sem_o0).wait()


def kernel(feats):
    out = _splice_gather(feats.reshape(B * T, D))
    return out.transpose(1, 0, 2)

# --- scband reference (transcript-rebuilt; emitter-appended) ---
"""Pipeline reference for scband-splice-transform-15985868276070 (READ-ONLY COPY).

The authoritative reference and input builder live on the scoring server;
editing this copy changes nothing except your own understanding.
"""

import jax, jax.numpy as jnp
import numpy as np

LCTX = 2
RCTX = 2
SUB = 3

def setup_inputs(seed: int = 0) -> dict:
    key = jax.random.key(seed)
    feats = jax.random.normal(key, (8, 4096, 512), dtype=jnp.float32)
    return {"feats": feats}

def reference(feats):
    T = feats.shape[-2]
    T = T - T % SUB
    if LCTX + RCTX != 0:
        ctx = []
        for c in range(-LCTX, RCTX + 1):
            idx = jnp.arange(c, c + T, dtype=jnp.int64)
            idx = jnp.clip(idx, 0, T - 1)
            ctx.append(jnp.take(feats, idx, axis=-2))
        feats = jnp.concatenate(ctx, axis=-1)
    if SUB != 1:
        feats = feats[..., ::SUB, :]
    return feats

if __name__ == "__main__":
    import jax
    _d = setup_inputs()
    print(jax.jit(kernel)(*tuple(_d.values())))

</pallas_src>

<mosaic_0001>
#map = affine_map<(d0, d1) -> (0, 0)>
#map1 = affine_map<(d0, d1) -> (0, 0, 0)>
module attributes {stable_mosaic.version = 14 : i64} {
  func.func @_splice_gather(%arg0: i32, %arg1: i32, %arg2: memref<32768x512xf32, #tpu.memory_space<hbm>>, %arg3: memref<1365x8x2560xf32, #tpu.memory_space<hbm>>, %arg4: memref<5x24xi32, #tpu.memory_space<vmem>>, %arg5: memref<5x24xi32, #tpu.memory_space<vmem>>, %arg6: memref<24x2560xf32, #tpu.memory_space<vmem>>, %arg7: memref<24x2560xf32, #tpu.memory_space<vmem>>, %arg8: memref<!tpu.dma_semaphore, #tpu.memory_space<semaphore_mem>>, %arg9: memref<!tpu.dma_semaphore, #tpu.memory_space<semaphore_mem>>, %arg10: memref<!tpu.dma_semaphore, #tpu.memory_space<semaphore_mem>>, %arg11: memref<!tpu.dma_semaphore, #tpu.memory_space<semaphore_mem>>) attributes {dimension_semantics = [#tpu.dimension_semantics<core_parallel>, #tpu.dimension_semantics<subcore_parallel>], iteration_bounds = array<i64: 2, 16>, scalar_prefetch = 0 : i64, scratch_operands = 8 : i64, tpu.core_type = #tpu.core_type<sc_vector_subcore>, window_params = [{transform_indices = #map}, {transform_indices = #map1}]} {
    %mul3A = arith.constant 2 : i32
    %mul3A_0 = arith.muli %arg1, %mul3A : i32
    %add3A = arith.addi %mul3A_0, %arg0 : i32
    %iota3A = tpu.iota {dimensions = array<i32: 0>} : vector<16xi32>
    %add3A_1 = arith.constant 0 : i32
    %add3A_2 = vector.broadcast %add3A_1 : i32 to vector<16xi32>
    %add3A_3 = arith.addi %add3A_2, %iota3A : vector<16xi32>
    %shift_right_logical3A = arith.constant 3 : i32
    %shift_right_logical3A_4 = vector.broadcast %shift_right_logical3A : i32 to vector<16xi32>
    %shift_right_logical3A_5 = arith.shrui %add3A_3, %shift_right_logical3A_4 : vector<16xi32>
    %mul3A_6 = arith.constant 8 : i32
    %mul3A_7 = vector.broadcast %mul3A_6 : i32 to vector<16xi32>
    %mul3A_8 = arith.muli %shift_right_logical3A_5, %mul3A_7 : vector<16xi32>
    %sub3A = arith.subi %add3A_3, %mul3A_8 : vector<16xi32>
    %mul3A_9 = arith.constant 4096 : i32
    %mul3A_10 = vector.broadcast %mul3A_9 : i32 to vector<16xi32>
    %mul3A_11 = arith.muli %sub3A, %mul3A_10 : vector<16xi32>
    %mul3A_12 = arith.constant 3 : i32
    %mul3A_13 = vector.broadcast %mul3A_12 : i32 to vector<16xi32>
    %mul3A_14 = arith.muli %mul3A_13, %shift_right_logical3A_5 : vector<16xi32>
    %add3A_15 = arith.constant 8 : i32
    %add3A_16 = vector.broadcast %add3A_15 : i32 to vector<16xi32>
    %add3A_17 = arith.addi %add3A_16, %iota3A : vector<16xi32>
    %shift_right_logical3A_18 = arith.constant 3 : i32
    %shift_right_logical3A_19 = vector.broadcast %shift_right_logical3A_18 : i32 to vector<16xi32>
    %shift_right_logical3A_20 = arith.shrui %add3A_17, %shift_right_logical3A_19 : vector<16xi32>
    %mul3A_21 = arith.constant 8 : i32
    %mul3A_22 = vector.broadcast %mul3A_21 : i32 to vector<16xi32>
    %mul3A_23 = arith.muli %shift_right_logical3A_20, %mul3A_22 : vector<16xi32>
    %sub3A_24 = arith.subi %add3A_17, %mul3A_23 : vector<16xi32>
    %mul3A_25 = arith.constant 4096 : i32
    %mul3A_26 = vector.broadcast %mul3A_25 : i32 to vector<16xi32>
    %mul3A_27 = arith.muli %sub3A_24, %mul3A_26 : vector<16xi32>
    %mul3A_28 = arith.constant 3 : i32
    %mul3A_29 = vector.broadcast %mul3A_28 : i32 to vector<16xi32>
    %mul3A_30 = arith.muli %mul3A_29, %shift_right_logical3A_20 : vector<16xi32>
    %add3A_31 = arith.constant 0 : i32
    %add3A_32 = arith.addi %add3A, %add3A_31 : i32
    %mul3A_33 = arith.constant 9 : i32
    %mul3A_34 = arith.muli %add3A_32, %mul3A_33 : i32
    %add3A_35 = vector.broadcast %mul3A_34 : i32 to vector<16xi32>
    %add3A_36 = arith.addi %add3A_35, %mul3A_14 : vector<16xi32>
    %add3A_37 = arith.constant -2 : i32
    %add3A_38 = vector.broadcast %add3A_37 : i32 to vector<16xi32>
    %add3A_39 = arith.addi %add3A_36, %add3A_38 : vector<16xi32>
    %jit3A = arith.constant 0 : i32
    %jit3A_40 = arith.constant 4094 : i32
    %max3A = vector.broadcast %jit3A : i32 to vector<16xi32>
    %max3A_41 = arith.maxsi %max3A, %add3A_39 : vector<16xi32>
    %min3A = vector.broadcast %jit3A_40 : i32 to vector<16xi32>
    %min3A_42 = arith.minsi %min3A, %max3A_41 : vector<16xi32>
    %add3A_43 = arith.addi %mul3A_11, %min3A_42 : vector<16xi32>
    %swap3A = arith.constant 0 : i32
    %swap3A_44 = arith.index_cast %swap3A : i32 to index
    %swap3A_45 = arith.constant 0 : index
    %swap3A_46 = tpu.vector_load %arg4[%swap3A_44, %swap3A_45] {strides = array<i32>} : memref<5x24xi32, #tpu.memory_space<vmem>>, vector<1x16xi32>,
    %swap3A_47 = vector.shape_cast %swap3A_46 : vector<1x16xi32> to vector<16xi32>
    %swap3A_48 = vector.shape_cast %add3A_43 : vector<16xi32> to vector<1x16xi32>
    tpu.vector_store %arg4[%swap3A_44, %swap3A_45], %swap3A_48 {strides = array<i32>} : memref<5x24xi32, #tpu.memory_space<vmem>>, vector<1x16xi32>,
    %add3A_49 = vector.broadcast %mul3A_34 : i32 to vector<16xi32>
    %add3A_50 = arith.addi %add3A_49, %mul3A_14 : vector<16xi32>
    %add3A_51 = arith.constant -1 : i32
    %add3A_52 = vector.broadcast %add3A_51 : i32 to vector<16xi32>
    %add3A_53 = arith.addi %add3A_50, %add3A_52 : vector<16xi32>
    %jit3A_54 = arith.constant 0 : i32
    %jit3A_55 = arith.constant 4094 : i32
    %max3A_56 = vector.broadcast %jit3A_54 : i32 to vector<16xi32>
    %max3A_57 = arith.maxsi %max3A_56, %add3A_53 : vector<16xi32>
    %min3A_58 = vector.broadcast %jit3A_55 : i32 to vector<16xi32>
    %min3A_59 = arith.minsi %min3A_58, %max3A_57 : vector<16xi32>
    %add3A_60 = arith.addi %mul3A_11, %min3A_59 : vector<16xi32>
    %swap3A_61 = arith.constant 1 : i32
    %swap3A_62 = arith.index_cast %swap3A_61 : i32 to index
    %swap3A_63 = arith.constant 0 : index
    %swap3A_64 = tpu.vector_load %arg4[%swap3A_62, %swap3A_63] {strides = array<i32>} : memref<5x24xi32, #tpu.memory_space<vmem>>, vector<1x16xi32>,
    %swap3A_65 = vector.shape_cast %swap3A_64 : vector<1x16xi32> to vector<16xi32>
    %swap3A_66 = vector.shape_cast %add3A_60 : vector<16xi32> to vector<1x16xi32>
    tpu.vector_store %arg4[%swap3A_62, %swap3A_63], %swap3A_66 {strides = array<i32>} : memref<5x24xi32, #tpu.memory_space<vmem>>, vector<1x16xi32>,
    %add3A_67 = vector.broadcast %mul3A_34 : i32 to vector<16xi32>
    %add3A_68 = arith.addi %add3A_67, %mul3A_14 : vector<16xi32>
    %add3A_69 = arith.constant 0 : i32
    %add3A_70 = vector.broadcast %add3A_69 : i32 to vector<16xi32>
    %add3A_71 = arith.addi %add3A_68, %add3A_70 : vector<16xi32>
    %jit3A_72 = arith.constant 0 : i32
    %jit3A_73 = arith.constant 4094 : i32
    %max3A_74 = vector.broadcast %jit3A_72 : i32 to vector<16xi32>
    %max3A_75 = arith.maxsi %max3A_74, %add3A_71 : vector<16xi32>
    %min3A_76 = vector.broadcast %jit3A_73 : i32 to vector<16xi32>
    %min3A_77 = arith.minsi %min3A_76, %max3A_75 : vector<16xi32>
    %add3A_78 = arith.addi %mul3A_11, %min3A_77 : vector<16xi32>
    %swap3A_79 = arith.constant 2 : i32
    %swap3A_80 = arith.index_cast %swap3A_79 : i32 to index
    %swap3A_81 = arith.constant 0 : index
    %swap3A_82 = tpu.vector_load %arg4[%swap3A_80, %swap3A_81] {strides = array<i32>} : memref<5x24xi32, #tpu.memory_space<vmem>>, vector<1x16xi32>,
    %swap3A_83 = vector.shape_cast %swap3A_82 : vector<1x16xi32> to vector<16xi32>
    %swap3A_84 = vector.shape_cast %add3A_78 : vector<16xi32> to vector<1x16xi32>
    tpu.vector_store %arg4[%swap3A_80, %swap3A_81], %swap3A_84 {strides = array<i32>} : memref<5x24xi32, #tpu.memory_space<vmem>>, vector<1x16xi32>,
    %add3A_85 = vector.broadcast %mul3A_34 : i32 to vector<16xi32>
    %add3A_86 = arith.addi %add3A_85, %mul3A_14 : vector<16xi32>
    %add3A_87 = arith.constant 1 : i32
    %add3A_88 = vector.broadcast %add3A_87 : i32 to vector<16xi32>
    %add3A_89 = arith.addi %add3A_86, %add3A_88 : vector<16xi32>
    %jit3A_90 = arith.constant 0 : i32
    %jit3A_91 = arith.constant 4094 : i32
    %max3A_92 = vector.broadcast %jit3A_90 : i32 to vector<16xi32>
    %max3A_93 = arith.maxsi %max3A_92, %add3A_89 : vector<16xi32>
    %min3A_94 = vector.broadcast %jit3A_91 : i32 to vector<16xi32>
    %min3A_95 = arith.minsi %min3A_94, %max3A_93 : vector<16xi32>
    %add3A_96 = arith.addi %mul3A_11, %min3A_95 : vector<16xi32>
    %swap3A_97 = arith.constant 3 : i32
    %swap3A_98 = arith.index_cast %swap3A_97 : i32 to index
    %swap3A_99 = arith.constant 0 : index
    %swap3A_100 = tpu.vector_load %arg4[%swap3A_98, %swap3A_99] {strides = array<i32>} : memref<5x24xi32, #tpu.memory_space<vmem>>, vector<1x16xi32>,
    %swap3A_101 = vector.shape_cast %swap3A_100 : vector<1x16xi32> to vector<16xi32>
    %swap3A_102 = vector.shape_cast %add3A_96 : vector<16xi32> to vector<1x16xi32>
    tpu.vector_store %arg4[%swap3A_98, %swap3A_99], %swap3A_102 {strides = array<i32>} : memref<5x24xi32, #tpu.memory_space<vmem>>, vector<1x16xi32>,
    %add3A_103 = vector.broadcast %mul3A_34 : i32 to vector<16xi32>
    %add3A_104 = arith.addi %add3A_103, %mul3A_14 : vector<16xi32>
    %add3A_105 = arith.constant 2 : i32
    %add3A_106 = vector.broadcast %add3A_105 : i32 to vector<16xi32>
    %add3A_107 = arith.addi %add3A_104, %add3A_106 : vector<16xi32>
    %jit3A_108 = arith.constant 0 : i32
    %jit3A_109 = arith.constant 4094 : i32
    %max3A_110 = vector.broadcast %jit3A_108 : i32 to vector<16xi32>
    %max3A_111 = arith.maxsi %max3A_110, %add3A_107 : vector<16xi32>
    %min3A_112 = vector.broadcast %jit3A_109 : i32 to vector<16xi32>
    %min3A_113 = arith.minsi %min3A_112, %max3A_111 : vector<16xi32>
    %add3A_114 = arith.addi %mul3A_11, %min3A_113 : vector<16xi32>
    %swap3A_115 = arith.constant 4 : i32
    %swap3A_116 = arith.index_cast %swap3A_115 : i32 to index
    %swap3A_117 = arith.constant 0 : index
    %swap3A_118 = tpu.vector_load %arg4[%swap3A_116, %swap3A_117] {strides = array<i32>} : memref<5x24xi32, #tpu.memory_space<vmem>>, vector<1x16xi32>,
    %swap3A_119 = vector.shape_cast %swap3A_118 : vector<1x16xi32> to vector<16xi32>
    %swap3A_120 = vector.shape_cast %add3A_114 : vector<16xi32> to vector<1x16xi32>
    tpu.vector_store %arg4[%swap3A_116, %swap3A_117], %swap3A_120 {strides = array<i32>} : memref<5x24xi32, #tpu.memory_space<vmem>>, vector<1x16xi32>,
    %add3A_121 = vector.broadcast %mul3A_34 : i32 to vector<16xi32>
    %add3A_122 = arith.addi %add3A_121, %mul3A_30 : vector<16xi32>
    %add3A_123 = arith.constant -2 : i32
    %add3A_124 = vector.broadcast %add3A_123 : i32 to vector<16xi32>
    %add3A_125 = arith.addi %add3A_122, %add3A_124 : vector<16xi32>
    %jit3A_126 = arith.constant 0 : i32
    %jit3A_127 = arith.constant 4094 : i32
    %max3A_128 = vector.broadcast %jit3A_126 : i32 to vector<16xi32>
    %max3A_129 = arith.maxsi %max3A_128, %add3A_125 : vector<16xi32>
    %min3A_130 = vector.broadcast %jit3A_127 : i32 to vector<16xi32>
    %min3A_131 = arith.minsi %min3A_130, %max3A_129 : vector<16xi32>
    %add3A_132 = arith.addi %mul3A_27, %min3A_131 : vector<16xi32>
    %swap3A_133 = arith.constant 0 : i32
    %swap3A_134 = arith.index_cast %swap3A_133 : i32 to index
    %swap3A_135 = arith.constant 8 : index
    %swap3A_136 = tpu.vector_load %arg4[%swap3A_134, %swap3A_135] {strides = array<i32>} : memref<5x24xi32, #tpu.memory_space<vmem>>, vector<1x16xi32>,
    %swap3A_137 = vector.shape_cast %swap3A_136 : vector<1x16xi32> to vector<16xi32>
    %swap3A_138 = vector.shape_cast %add3A_132 : vector<16xi32> to vector<1x16xi32>
    tpu.vector_store %arg4[%swap3A_134, %swap3A_135], %swap3A_138 {strides = array<i32>} : memref<5x24xi32, #tpu.memory_space<vmem>>, vector<1x16xi32>,
    %add3A_139 = vector.broadcast %mul3A_34 : i32 to vector<16xi32>
    %add3A_140 = arith.addi %add3A_139, %mul3A_30 : vector<16xi32>
    %add3A_141 = arith.constant -1 : i32
    %add3A_142 = vector.broadcast %add3A_141 : i32 to vector<16xi32>
    %add3A_143 = arith.addi %add3A_140, %add3A_142 : vector<16xi32>
    %jit3A_144 = arith.constant 0 : i32
    %jit3A_145 = arith.constant 4094 : i32
    %max3A_146 = vector.broadcast %jit3A_144 : i32 to vector<16xi32>
    %max3A_147 = arith.maxsi %max3A_146, %add3A_143 : vector<16xi32>
    %min3A_148 = vector.broadcast %jit3A_145 : i32 to vector<16xi32>
    %min3A_149 = arith.minsi %min3A_148, %max3A_147 : vector<16xi32>
    %add3A_150 = arith.addi %mul3A_27, %min3A_149 : vector<16xi32>
    %swap3A_151 = arith.constant 1 : i32
    %swap3A_152 = arith.index_cast %swap3A_151 : i32 to index
    %swap3A_153 = arith.constant 8 : index
    %swap3A_154 = tpu.vector_load %arg4[%swap3A_152, %swap3A_153] {strides = array<i32>} : memref<5x24xi32, #tpu.memory_space<vmem>>, vector<1x16xi32>,
    %swap3A_155 = vector.shape_cast %swap3A_154 : vector<1x16xi32> to vector<16xi32>
    %swap3A_156 = vector.shape_cast %add3A_150 : vector<16xi32> to vector<1x16xi32>
    tpu.vector_store %arg4[%swap3A_152, %swap3A_153], %swap3A_156 {strides = array<i32>} : memref<5x24xi32, #tpu.memory_space<vmem>>, vector<1x16xi32>,
    %add3A_157 = vector.broadcast %mul3A_34 : i32 to vector<16xi32>
    %add3A_158 = arith.addi %add3A_157, %mul3A_30 : vector<16xi32>
    %add3A_159 = arith.constant 0 : i32
    %add3A_160 = vector.broadcast %add3A_159 : i32 to vector<16xi32>
    %add3A_161 = arith.addi %add3A_158, %add3A_160 : vector<16xi32>
    %jit3A_162 = arith.constant 0 : i32
    %jit3A_163 = arith.constant 4094 : i32
    %max3A_164 = vector.broadcast %jit3A_162 : i32 to vector<16xi32>
    %max3A_165 = arith.maxsi %max3A_164, %add3A_161 : vector<16xi32>
    %min3A_166 = vector.broadcast %jit3A_163 : i32 to vector<16xi32>
    %min3A_167 = arith.minsi %min3A_166, %max3A_165 : vector<16xi32>
    %add3A_168 = arith.addi %mul3A_27, %min3A_167 : vector<16xi32>
    %swap3A_169 = arith.constant 2 : i32
    %swap3A_170 = arith.index_cast %swap3A_169 : i32 to index
    %swap3A_171 = arith.constant 8 : index
    %swap3A_172 = tpu.vector_load %arg4[%swap3A_170, %swap3A_171] {strides = array<i32>} : memref<5x24xi32, #tpu.memory_space<vmem>>, vector<1x16xi32>,
    %swap3A_173 = vector.shape_cast %swap3A_172 : vector<1x16xi32> to vector<16xi32>
    %swap3A_174 = vector.shape_cast %add3A_168 : vector<16xi32> to vector<1x16xi32>
    tpu.vector_store %arg4[%swap3A_170, %swap3A_171], %swap3A_174 {strides = array<i32>} : memref<5x24xi32, #tpu.memory_space<vmem>>, vector<1x16xi32>,
    %add3A_175 = vector.broadcast %mul3A_34 : i32 to vector<16xi32>
    %add3A_176 = arith.addi %add3A_175, %mul3A_30 : vector<16xi32>
    %add3A_177 = arith.constant 1 : i32
    %add3A_178 = vector.broadcast %add3A_177 : i32 to vector<16xi32>
    %add3A_179 = arith.addi %add3A_176, %add3A_178 : vector<16xi32>
    %jit3A_180 = arith.constant 0 : i32
    %jit3A_181 = arith.constant 4094 : i32
    %max3A_182 = vector.broadcast %jit3A_180 : i32 to vector<16xi32>
    %max3A_183 = arith.maxsi %max3A_182, %add3A_179 : vector<16xi32>
    %min3A_184 = vector.broadcast %jit3A_181 : i32 to vector<16xi32>
    %min3A_185 = arith.minsi %min3A_184, %max3A_183 : vector<16xi32>
    %add3A_186 = arith.addi %mul3A_27, %min3A_185 : vector<16xi32>
    %swap3A_187 = arith.constant 3 : i32
    %swap3A_188 = arith.index_cast %swap3A_187 : i32 to index
    %swap3A_189 = arith.constant 8 : index
    %swap3A_190 = tpu.vector_load %arg4[%swap3A_188, %swap3A_189] {strides = array<i32>} : memref<5x24xi32, #tpu.memory_space<vmem>>, vector<1x16xi32>,
    %swap3A_191 = vector.shape_cast %swap3A_190 : vector<1x16xi32> to vector<16xi32>
    %swap3A_192 = vector.shape_cast %add3A_186 : vector<16xi32> to vector<1x16xi32>
    tpu.vector_store %arg4[%swap3A_188, %swap3A_189], %swap3A_192 {strides = array<i32>} : memref<5x24xi32, #tpu.memory_space<vmem>>, vector<1x16xi32>,
    %add3A_193 = vector.broadcast %mul3A_34 : i32 to vector<16xi32>
    %add3A_194 = arith.addi %add3A_193, %mul3A_30 : vector<16xi32>
    %add3A_195 = arith.constant 2 : i32
    %add3A_196 = vector.broadcast %add3A_195 : i32 to vector<16xi32>
    %add3A_197 = arith.addi %add3A_194, %add3A_196 : vector<16xi32>
    %jit3A_198 = arith.constant 0 : i32
    %jit3A_199 = arith.constant 4094 : i32
    %max3A_200 = vector.broadcast %jit3A_198 : i32 to vector<16xi32>
    %max3A_201 = arith.maxsi %max3A_200, %add3A_197 : vector<16xi32>
    %min3A_202 = vector.broadcast %jit3A_199 : i32 to vector<16xi32>
    %min3A_203 = arith.minsi %min3A_202, %max3A_201 : vector<16xi32>
    %add3A_204 = arith.addi %mul3A_27, %min3A_203 : vector<16xi32>
    %swap3A_205 = arith.constant 4 : i32
    %swap3A_206 = arith.index_cast %swap3A_205 : i32 to index
    %swap3A_207 = arith.constant 8 : index
    %swap3A_208 = tpu.vector_load %arg4[%swap3A_206, %swap3A_207] {strides = array<i32>} : memref<5x24xi32, #tpu.memory_space<vmem>>, vector<1x16xi32>,
    %swap3A_209 = vector.shape_cast %swap3A_208 : vector<1x16xi32> to vector<16xi32>
    %swap3A_210 = vector.shape_cast %add3A_204 : vector<16xi32> to vector<1x16xi32>
    tpu.vector_store %arg4[%swap3A_206, %swap3A_207], %swap3A_210 {strides = array<i32>} : memref<5x24xi32, #tpu.memory_space<vmem>>, vector<1x16xi32>,
    %dma_start3A = arith.constant 0 : i32
    %dma_start3A_211 = arith.constant 0 : i32
    %dma_start3A_212 = arith.constant 0 : i32
    %dma_start3A_213 = tpu.memref_slice %arg6[%dma_start3A_211, %dma_start3A_212] : memref<24x2560xf32, #tpu.memory_space<vmem>> -> memref<24x512xf32, #tpu.memory_space<vmem>>
    %dma_start3A_214 = arith.constant 0 : i32
    %dma_start3A_215 = tpu.memref_slice %arg4[%dma_start3A, %dma_start3A_214] : memref<5x24xi32, #tpu.memory_space<vmem>> -> memref<1x24xi32, #tpu.memory_space<vmem>>
    %dma_start3A_216 = tpu.memref_squeeze %dma_start3A_215 : memref<1x24xi32, #tpu.memory_space<vmem>> -> memref<24xi32, #tpu.memory_space<vmem>>
    %dma_start3A_217 = arith.constant 0 : i32
    %dma_start3A_218 = arith.constant 0 : i32
    %dma_start3A_219 = tpu.memref_slice %arg2[%dma_start3A_217, %dma_start3A_218] : memref<32768x512xf32, #tpu.memory_space<hbm>> -> memref<32768x512xf32, #tpu.memory_space<hbm>>
    tpu.enqueue_indirect_dma source(%dma_start3A_219 : memref<32768x512xf32, #tpu.memory_space<hbm>>) target(%dma_start3A_213 : memref<24x512xf32, #tpu.memory_space<vmem>>) offsets(%dma_start3A_216 : memref<24xi32, #tpu.memory_space<vmem>>) semaphore(%arg8 : memref<!tpu.dma_semaphore, #tpu.memory_space<semaphore_mem>>)
    %dma_start3A_220 = arith.constant 1 : i32
    %dma_start3A_221 = arith.constant 0 : i32
    %dma_start3A_222 = arith.constant 512 : i32
    %dma_start3A_223 = tpu.memref_slice %arg6[%dma_start3A_221, %dma_start3A_222] : memref<24x2560xf32, #tpu.memory_space<vmem>> -> memref<24x512xf32, #tpu.memory_space<vmem>>
    %dma_start3A_224 = arith.constant 0 : i32
    %dma_start3A_225 = tpu.memref_slice %arg4[%dma_start3A_220, %dma_start3A_224] : memref<5x24xi32, #tpu.memory_space<vmem>> -> memref<1x24xi32, #tpu.memory_space<vmem>>
    %dma_start3A_226 = tpu.memref_squeeze %dma_start3A_225 : memref<1x24xi32, #tpu.memory_space<vmem>> -> memref<24xi32, #tpu.memory_space<vmem>>
    %dma_start3A_227 = arith.constant 0 : i32
    %dma_start3A_228 = arith.constant 0 : i32
    %dma_start3A_229 = tpu.memref_slice %arg2[%dma_start3A_227, %dma_start3A_228] : memref<32768x512xf32, #tpu.memory_space<hbm>> -> memref<32768x512xf32, #tpu.memory_space<hbm>>
    tpu.enqueue_indirect_dma source(%dma_start3A_229 : memref<32768x512xf32, #tpu.memory_space<hbm>>) target(%dma_start3A_223 : memref<24x512xf32, #tpu.memory_space<vmem>>) offsets(%dma_start3A_226 : memref<24xi32, #tpu.memory_space<vmem>>) semaphore(%arg8 : memref<!tpu.dma_semaphore, #tpu.memory_space<semaphore_mem>>)
    %dma_start3A_230 = arith.constant 2 : i32
    %dma_start3A_231 = arith.constant 0 : i32
    %dma_start3A_232 = arith.constant 1024 : i32
    %dma_start3A_233 = tpu.memref_slice %arg6[%dma_start3A_231, %dma_start3A_232] : memref<24x2560xf32, #tpu.memory_space<vmem>> -> memref<24x512xf32, #tpu.memory_space<vmem>>
    %dma_start3A_234 = arith.constant 0 : i32
    %dma_start3A_235 = tpu.memref_slice %arg4[%dma_start3A_230, %dma_start3A_234] : memref<5x24xi32, #tpu.memory_space<vmem>> -> memref<1x24xi32, #tpu.memory_space<vmem>>
    %dma_start3A_236 = tpu.memref_squeeze %dma_start3A_235 : memref<1x24xi32, #tpu.memory_space<vmem>> -> memref<24xi32, #tpu.memory_space<vmem>>
    %dma_start3A_237 = arith.constant 0 : i32
    %dma_start3A_238 = arith.constant 0 : i32
    %dma_start3A_239 = tpu.memref_slice %arg2[%dma_start3A_237, %dma_start3A_238] : memref<32768x512xf32, #tpu.memory_space<hbm>> -> memref<32768x512xf32, #tpu.memory_space<hbm>>
    tpu.enqueue_indirect_dma source(%dma_start3A_239 : memref<32768x512xf32, #tpu.memory_space<hbm>>) target(%dma_start3A_233 : memref<24x512xf32, #tpu.memory_space<vmem>>) offsets(%dma_start3A_236 : memref<24xi32, #tpu.memory_space<vmem>>) semaphore(%arg8 : memref<!tpu.dma_semaphore, #tpu.memory_space<semaphore_mem>>)
    %dma_start3A_240 = arith.constant 3 : i32
    %dma_start3A_241 = arith.constant 0 : i32
    %dma_start3A_242 = arith.constant 1536 : i32
    %dma_start3A_243 = tpu.memref_slice %arg6[%dma_start3A_241, %dma_start3A_242] : memref<24x2560xf32, #tpu.memory_space<vmem>> -> memref<24x512xf32, #tpu.memory_space<vmem>>
    %dma_start3A_244 = arith.constant 0 : i32
    %dma_start3A_245 = tpu.memref_slice %arg4[%dma_start3A_240, %dma_start3A_244] : memref<5x24xi32, #tpu.memory_space<vmem>> -> memref<1x24xi32, #tpu.memory_space<vmem>>
    %dma_start3A_246 = tpu.memref_squeeze %dma_start3A_245 : memref<1x24xi32, #tpu.memory_space<vmem>> -> memref<24xi32, #tpu.memory_space<vmem>>
    %dma_start3A_247 = arith.constant 0 : i32
    %dma_start3A_248 = arith.constant 0 : i32
    %dma_start3A_249 = tpu.memref_slice %arg2[%dma_start3A_247, %dma_start3A_248] : memref<32768x512xf32, #tpu.memory_space<hbm>> -> memref<32768x512xf32, #tpu.memory_space<hbm>>
    tpu.enqueue_indirect_dma source(%dma_start3A_249 : memref<32768x512xf32, #tpu.memory_space<hbm>>) target(%dma_start3A_243 : memref<24x512xf32, #tpu.memory_space<vmem>>) offsets(%dma_start3A_246 : memref<24xi32, #tpu.memory_space<vmem>>) semaphore(%arg8 : memref<!tpu.dma_semaphore, #tpu.memory_space<semaphore_mem>>)
    %dma_start3A_250 = arith.constant 4 : i32
    %dma_start3A_251 = arith.constant 0 : i32
    %dma_start3A_252 = arith.constant 2048 : i32
    %dma_start3A_253 = tpu.memref_slice %arg6[%dma_start3A_251, %dma_start3A_252] : memref<24x2560xf32, #tpu.memory_space<vmem>> -> memref<24x512xf32, #tpu.memory_space<vmem>>
    %dma_start3A_254 = arith.constant 0 : i32
    %dma_start3A_255 = tpu.memref_slice %arg4[%dma_start3A_250, %dma_start3A_254] : memref<5x24xi32, #tpu.memory_space<vmem>> -> memref<1x24xi32, #tpu.memory_space<vmem>>
    %dma_start3A_256 = tpu.memref_squeeze %dma_start3A_255 : memref<1x24xi32, #tpu.memory_space<vmem>> -> memref<24xi32, #tpu.memory_space<vmem>>
    %dma_start3A_257 = arith.constant 0 : i32
    %dma_start3A_258 = arith.constant 0 : i32
    %dma_start3A_259 = tpu.memref_slice %arg2[%dma_start3A_257, %dma_start3A_258] : memref<32768x512xf32, #tpu.memory_space<hbm>> -> memref<32768x512xf32, #tpu.memory_space<hbm>>
    tpu.enqueue_indirect_dma source(%dma_start3A_259 : memref<32768x512xf32, #tpu.memory_space<hbm>>) target(%dma_start3A_253 : memref<24x512xf32, #tpu.memory_space<vmem>>) offsets(%dma_start3A_256 : memref<24xi32, #tpu.memory_space<vmem>>) semaphore(%arg8 : memref<!tpu.dma_semaphore, #tpu.memory_space<semaphore_mem>>)
    %scan3A = arith.constant 0 : i32
    %scan3A_260 = arith.constant 7 : i32
    %scan3A_261 = arith.addi %scan3A, %scan3A_260 : i32
    %scan3A_262 = arith.constant 1 : i32
    scf.for %scan3A_285 = %scan3A to %scan3A_261 step %scan3A_262  : i32 {
      %mul3A_286 = arith.constant 1 : i32
      %mul3A_287 = arith.muli %scan3A_285, %mul3A_286 : i32
      %add3A_288 = arith.constant 0 : i32
      %add3A_289 = arith.addi %add3A_288, %mul3A_287 : i32
      %gt3A = arith.constant 0 : i32
      %gt3A_290 = arith.cmpi sgt, %add3A_289, %gt3A : i32
      %convert_element_type3A_291 = arith.extui %gt3A_290 : i1 to i32
      %cond3A_292 = arith.constant 0 : i32
      %cond3A_293 = arith.cmpi ne, %convert_element_type3A_291, %cond3A_292 : i32
      scf.if %cond3A_293 {
        %dma_wait3A_670 = tpu.memref_reshape %arg7 : memref<24x2560xf32, #tpu.memory_space<vmem>> -> memref<3x8x2560xf32, #tpu.memory_space<vmem>>
        %dma_wait3A_671 = arith.constant 0 : i32
        %dma_wait3A_672 = arith.constant 0 : i32
        %dma_wait3A_673 = arith.constant 0 : i32
        %dma_wait3A_674 = tpu.memref_slice %arg3[%dma_wait3A_671, %dma_wait3A_672, %dma_wait3A_673] : memref<1365x8x2560xf32, #tpu.memory_space<hbm>> -> memref<3x8x2560xf32, #tpu.memory_space<hbm>>
        %dma_wait3A_675 = arith.constant 0 : i32
        %dma_wait3A_676 = arith.constant 0 : i32
        %dma_wait3A_677 = arith.constant 0 : i32
        %dma_wait3A_678 = tpu.memref_slice %arg3[%dma_wait3A_675, %dma_wait3A_676, %dma_wait3A_677] : memref<1365x8x2560xf32, #tpu.memory_space<hbm>> -> memref<3x8x2560xf32, #tpu.memory_space<hbm>>
        %dma_wait3A_679 = tpu.memref_reshape %arg7 : memref<24x2560xf32, #tpu.memory_space<vmem>> -> memref<3x8x2560xf32, #tpu.memory_space<vmem>>
        tpu.wait_dma2 semaphore(%arg11 : memref<!tpu.dma_semaphore, #tpu.memory_space<semaphore_mem>>) src(%dma_wait3A_679 : memref<3x8x2560xf32, #tpu.memory_space<vmem>>) dst(%dma_wait3A_678 : memref<3x8x2560xf32, #tpu.memory_space<hbm>>)
      } else {
      }
      %mul3A_294 = arith.constant 2 : i32
      %mul3A_295 = arith.muli %mul3A_294, %add3A_289 : i32
      %add3A_296 = arith.constant 1 : i32
      %add3A_297 = arith.addi %mul3A_295, %add3A_296 : i32
      %mul3A_298 = arith.constant 32 : i32
      %mul3A_299 = arith.muli %add3A_297, %mul3A_298 : i32
      %add3A_300 = arith.addi %add3A, %mul3A_299 : i32
      %mul3A_301 = arith.constant 9 : i32
      %mul3A_302 = arith.muli %add3A_300, %mul3A_301 : i32
      %add3A_303 = vector.broadcast %mul3A_302 : i32 to vector<16xi32>
      %add3A_304 = arith.addi %add3A_303, %mul3A_14 : vector<16xi32>
      %add3A_305 = arith.constant -2 : i32
      %add3A_306 = vector.broadcast %add3A_305 : i32 to vector<16xi32>
      %add3A_307 = arith.addi %add3A_304, %add3A_306 : vector<16xi32>
      %jit3A_308 = arith.constant 0 : i32
      %jit3A_309 = arith.constant 4094 : i32
      %max3A_310 = vector.broadcast %jit3A_308 : i32 to vector<16xi32>
      %max3A_311 = arith.maxsi %max3A_310, %add3A_307 : vector<16xi32>
      %min3A_312 = vector.broadcast %jit3A_309 : i32 to vector<16xi32>
      %min3A_313 = arith.minsi %min3A_312, %max3A_311 : vector<16xi32>
      %add3A_314 = arith.addi %mul3A_11, %min3A_313 : vector<16xi32>
      %swap3A_315 = arith.constant 0 : i32
      %swap3A_316 = arith.index_cast %swap3A_315 : i32 to index
      %swap3A_317 = arith.constant 0 : index
      %swap3A_318 = tpu.vector_load %arg5[%swap3A_316, %swap3A_317] {strides = array<i32>} : memref<5x24xi32, #tpu.memory_space<vmem>>, vector<1x16xi32>,
      %swap3A_319 = vector.shape_cast %swap3A_318 : vector<1x16xi32> to vector<16xi32>
      %swap3A_320 = vector.shape_cast %add3A_314 : vector<16xi32> to vector<1x16xi32>
      tpu.vector_store %arg5[%swap3A_316, %swap3A_317], %swap3A_320 {strides = array<i32>} : memref<5x24xi32, #tpu.memory_space<vmem>>, vector<1x16xi32>,
      %add3A_321 = vector.broadcast %mul3A_302 : i32 to vector<16xi32>
      %add3A_322 = arith.addi %add3A_321, %mul3A_14 : vector<16xi32>
      %add3A_323 = arith.constant -1 : i32
      %add3A_324 = vector.broadcast %add3A_323 : i32 to vector<16xi32>
      %add3A_325 = arith.addi %add3A_322, %add3A_324 : vector<16xi32>
      %jit3A_326 = arith.constant 0 : i32
      %jit3A_327 = arith.constant 4094 : i32
      %max3A_328 = vector.broadcast %jit3A_326 : i32 to vector<16xi32>
      %max3A_329 = arith.maxsi %max3A_328, %add3A_325 : vector<16xi32>
      %min3A_330 = vector.broadcast %jit3A_327 : i32 to vector<16xi32>
      %min3A_331 = arith.minsi %min3A_330, %max3A_329 : vector<16xi32>
      %add3A_332 = arith.addi %mul3A_11, %min3A_331 : vector<16xi32>
      %swap3A_333 = arith.constant 1 : i32
      %swap3A_334 = arith.index_cast %swap3A_333 : i32 to index
      %swap3A_335 = arith.constant 0 : index
      %swap3A_336 = tpu.vector_load %arg5[%swap3A_334, %swap3A_335] {strides = array<i32>} : memref<5x24xi32, #tpu.memory_space<vmem>>, vector<1x16xi32>,
      %swap3A_337 = vector.shape_cast %swap3A_336 : vector<1x16xi32> to vector<16xi32>
      %swap3A_338 = vector.shape_cast %add3A_332 : vector<16xi32> to vector<1x16xi32>
      tpu.vector_store %arg5[%swap3A_334, %swap3A_335], %swap3A_338 {strides = array<i32>} : memref<5x24xi32, #tpu.memory_space<vmem>>, vector<1x16xi32>,
      %add3A_339 = vector.broadcast %mul3A_302 : i32 to vector<16xi32>
      %add3A_340 = arith.addi %add3A_339, %mul3A_14 : vector<16xi32>
      %add3A_341 = arith.constant 0 : i32
      %add3A_342 = vector.broadcast %add3A_341 : i32 to vector<16xi32>
      %add3A_343 = arith.addi %add3A_340, %add3A_342 : vector<16xi32>
      %jit3A_344 = arith.constant 0 : i32
      %jit3A_345 = arith.constant 4094 : i32
      %max3A_346 = vector.broadcast %jit3A_344 : i32 to vector<16xi32>
      %max3A_347 = arith.maxsi %max3A_346, %add3A_343 : vector<16xi32>
      %min3A_348 = vector.broadcast %jit3A_345 : i32 to vector<16xi32>
      %min3A_349 = arith.minsi %min3A_348, %max3A_347 : vector<16xi32>
      %add3A_350 = arith.addi %mul3A_11, %min3A_349 : vector<16xi32>
      %swap3A_351 = arith.constant 2 : i32
      %swap3A_352 = arith.index_cast %swap3A_351 : i32 to index
      %swap3A_353 = arith.constant 0 : index
      %swap3A_354 = tpu.vector_load %arg5[%swap3A_352, %swap3A_353] {strides = array<i32>} : memref<5x24xi32, #tpu.memory_space<vmem>>, vector<1x16xi32>,
      %swap3A_355 = vector.shape_cast %swap3A_354 : vector<1x16xi32> to vector<16xi32>
      %swap3A_356 = vector.shape_cast %add3A_350 : vector<16xi32> to vector<1x16xi32>
      tpu.vector_store %arg5[%swap3A_352, %swap3A_353], %swap3A_356 {strides = array<i32>} : memref<5x24xi32, #tpu.memory_space<vmem>>, vector<1x16xi32>,
      %add3A_357 = vector.broadcast %mul3A_302 : i32 to vector<16xi32>
      %add3A_358 = arith.addi %add3A_357, %mul3A_14 : vector<16xi32>
      %add3A_359 = arith.constant 1 : i32
      %add3A_360 = vector.broadcast %add3A_359 : i32 to vector<16xi32>
      %add3A_361 = arith.addi %add3A_358, %add3A_360 : vector<16xi32>
      %jit3A_362 = arith.constant 0 : i32
      %jit3A_363 = arith.constant 4094 : i32
      %max3A_364 = vector.broadcast %jit3A_362 : i32 to vector<16xi32>
      %max3A_365 = arith.maxsi %max3A_364, %add3A_361 : vector<16xi32>
      %min3A_366 = vector.broadcast %jit3A_363 : i32 to vector<16xi32>
      %min3A_367 = arith.minsi %min3A_366, %max3A_365 : vector<16xi32>
      %add3A_368 = arith.addi %mul3A_11, %min3A_367 : vector<16xi32>
      %swap3A_369 = arith.constant 3 : i32
      %swap3A_370 = arith.index_cast %swap3A_369 : i32 to index
      %swap3A_371 = arith.constant 0 : index
      %swap3A_372 = tpu.vector_load %arg5[%swap3A_370, %swap3A_371] {strides = array<i32>} : memref<5x24xi32, #tpu.memory_space<vmem>>, vector<1x16xi32>,
      %swap3A_373 = vector.shape_cast %swap3A_372 : vector<1x16xi32> to vector<16xi32>
      %swap3A_374 = vector.shape_cast %add3A_368 : vector<16xi32> to vector<1x16xi32>
      tpu.vector_store %arg5[%swap3A_370, %swap3A_371], %swap3A_374 {strides = array<i32>} : memref<5x24xi32, #tpu.memory_space<vmem>>, vector<1x16xi32>,
      %add3A_375 = vector.broadcast %mul3A_302 : i32 to vector<16xi32>
      %add3A_376 = arith.addi %add3A_375, %mul3A_14 : vector<16xi32>
      %add3A_377 = arith.constant 2 : i32
      %add3A_378 = vector.broadcast %add3A_377 : i32 to vector<16xi32>
      %add3A_379 = arith.addi %add3A_376, %add3A_378 : vector<16xi32>
      %jit3A_380 = arith.constant 0 : i32
      %jit3A_381 = arith.constant 4094 : i32
      %max3A_382 = vector.broadcast %jit3A_380 : i32 to vector<16xi32>
      %max3A_383 = arith.maxsi %max3A_382, %add3A_379 : vector<16xi32>
      %min3A_384 = vector.broadcast %jit3A_381 : i32 to vector<16xi32>
      %min3A_385 = arith.minsi %min3A_384, %max3A_383 : vector<16xi32>
      %add3A_386 = arith.addi %mul3A_11, %min3A_385 : vector<16xi32>
      %swap3A_387 = arith.constant 4 : i32
      %swap3A_388 = arith.index_cast %swap3A_387 : i32 to index
      %swap3A_389 = arith.constant 0 : index
      %swap3A_390 = tpu.vector_load %arg5[%swap3A_388, %swap3A_389] {strides = array<i32>} : memref<5x24xi32, #tpu.memory_space<vmem>>, vector<1x16xi32>,
      %swap3A_391 = vector.shape_cast %swap3A_390 : vector<1x16xi32> to vector<16xi32>
      %swap3A_392 = vector.shape_cast %add3A_386 : vector<16xi32> to vector<1x16xi32>
      tpu.vector_store %arg5[%swap3A_388, %swap3A_389], %swap3A_392 {strides = array<i32>} : memref<5x24xi32, #tpu.memory_space<vmem>>, vector<1x16xi32>,
      %add3A_393 = vector.broadcast %mul3A_302 : i32 to vector<16xi32>
      %add3A_394 = arith.addi %add3A_393, %mul3A_30 : vector<16xi32>
      %add3A_395 = arith.constant -2 : i32
      %add3A_396 = vector.broadcast %add3A_395 : i32 to vector<16xi32>
      %add3A_397 = arith.addi %add3A_394, %add3A_396 : vector<16xi32>
      %jit3A_398 = arith.constant 0 : i32
      %jit3A_399 = arith.constant 4094 : i32
      %max3A_400 = vector.broadcast %jit3A_398 : i32 to vector<16xi32>
      %max3A_401 = arith.maxsi %max3A_400, %add3A_397 : vector<16xi32>
      %min3A_402 = vector.broadcast %jit3A_399 : i32 to vector<16xi32>
      %min3A_403 = arith.minsi %min3A_402, %max3A_401 : vector<16xi32>
      %add3A_404 = arith.addi %mul3A_27, %min3A_403 : vector<16xi32>
      %swap3A_405 = arith.constant 0 : i32
      %swap3A_406 = arith.index_cast %swap3A_405 : i32 to index
      %swap3A_407 = arith.constant 8 : index
      %swap3A_408 = tpu.vector_load %arg5[%swap3A_406, %swap3A_407] {strides = array<i32>} : memref<5x24xi32, #tpu.memory_space<vmem>>, vector<1x16xi32>,
      %swap3A_409 = vector.shape_cast %swap3A_408 : vector<1x16xi32> to vector<16xi32>
      %swap3A_410 = vector.shape_cast %add3A_404 : vector<16xi32> to vector<1x16xi32>
      tpu.vector_store %arg5[%swap3A_406, %swap3A_407], %swap3A_410 {strides = array<i32>} : memref<5x24xi32, #tpu.memory_space<vmem>>, vector<1x16xi32>,
      %add3A_411 = vector.broadcast %mul3A_302 : i32 to vector<16xi32>
      %add3A_412 = arith.addi %add3A_411, %mul3A_30 : vector<16xi32>
      %add3A_413 = arith.constant -1 : i32
      %add3A_414 = vector.broadcast %add3A_413 : i32 to vector<16xi32>
      %add3A_415 = arith.addi %add3A_412, %add3A_414 : vector<16xi32>
      %jit3A_416 = arith.constant 0 : i32
      %jit3A_417 = arith.constant 4094 : i32
      %max3A_418 = vector.broadcast %jit3A_416 : i32 to vector<16xi32>
      %max3A_419 = arith.maxsi %max3A_418, %add3A_415 : vector<16xi32>
      %min3A_420 = vector.broadcast %jit3A_417 : i32 to vector<16xi32>
      %min3A_421 = arith.minsi %min3A_420, %max3A_419 : vector<16xi32>
      %add3A_422 = arith.addi %mul3A_27, %min3A_421 : vector<16xi32>
      %swap3A_423 = arith.constant 1 : i32
      %swap3A_424 = arith.index_cast %swap3A_423 : i32 to index
      %swap3A_425 = arith.constant 8 : index
      %swap3A_426 = tpu.vector_load %arg5[%swap3A_424, %swap3A_425] {strides = array<i32>} : memref<5x24xi32, #tpu.memory_space<vmem>>, vector<1x16xi32>,
      %swap3A_427 = vector.shape_cast %swap3A_426 : vector<1x16xi32> to vector<16xi32>
      %swap3A_428 = vector.shape_cast %add3A_422 : vector<16xi32> to vector<1x16xi32>
      tpu.vector_store %arg5[%swap3A_424, %swap3A_425], %swap3A_428 {strides = array<i32>} : memref<5x24xi32, #tpu.memory_space<vmem>>, vector<1x16xi32>,
      %add3A_429 = vector.broadcast %mul3A_302 : i32 to vector<16xi32>
      %add3A_430 = arith.addi %add3A_429, %mul3A_30 : vector<16xi32>
      %add3A_431 = arith.constant 0 : i32
      %add3A_432 = vector.broadcast %add3A_431 : i32 to vector<16xi32>
      %add3A_433 = arith.addi %add3A_430, %add3A_432 : vector<16xi32>
      %jit3A_434 = arith.constant 0 : i32
      %jit3A_435 = arith.constant 4094 : i32
      %max3A_436 = vector.broadcast %jit3A_434 : i32 to vector<16xi32>
      %max3A_437 = arith.maxsi %max3A_436, %add3A_433 : vector<16xi32>
      %min3A_438 = vector.broadcast %jit3A_435 : i32 to vector<16xi32>
      %min3A_439 = arith.minsi %min3A_438, %max3A_437 : vector<16xi32>
      %add3A_440 = arith.addi %mul3A_27, %min3A_439 : vector<16xi32>
      %swap3A_441 = arith.constant 2 : i32
      %swap3A_442 = arith.index_cast %swap3A_441 : i32 to index
      %swap3A_443 = arith.constant 8 : index
      %swap3A_444 = tpu.vector_load %arg5[%swap3A_442, %swap3A_443] {strides = array<i32>} : memref<5x24xi32, #tpu.memory_space<vmem>>, vector<1x16xi32>,
      %swap3A_445 = vector.shape_cast %swap3A_444 : vector<1x16xi32> to vector<16xi32>
      %swap3A_446 = vector.shape_cast %add3A_440 : vector<16xi32> to vector<1x16xi32>
      tpu.vector_store %arg5[%swap3A_442, %swap3A_443], %swap3A_446 {strides = array<i32>} : memref<5x24xi32, #tpu.memory_space<vmem>>, vector<1x16xi32>,
      %add3A_447 = vector.broadcast %mul3A_302 : i32 to vector<16xi32>
      %add3A_448 = arith.addi %add3A_447, %mul3A_30 : vector<16xi32>
      %add3A_449 = arith.constant 1 : i32
      %add3A_450 = vector.broadcast %add3A_449 : i32 to vector<16xi32>
      %add3A_451 = arith.addi %add3A_448, %add3A_450 : vector<16xi32>
      %jit3A_452 = arith.constant 0 : i32
      %jit3A_453 = arith.constant 4094 : i32
      %max3A_454 = vector.broadcast %jit3A_452 : i32 to vector<16xi32>
      %max3A_455 = arith.maxsi %max3A_454, %add3A_451 : vector<16xi32>
      %min3A_456 = vector.broadcast %jit3A_453 : i32 to vector<16xi32>
      %min3A_457 = arith.minsi %min3A_456, %max3A_455 : vector<16xi32>
      %add3A_458 = arith.addi %mul3A_27, %min3A_457 : vector<16xi32>
      %swap3A_459 = arith.constant 3 : i32
      %swap3A_460 = arith.index_cast %swap3A_459 : i32 to index
      %swap3A_461 = arith.constant 8 : index
      %swap3A_462 = tpu.vector_load %arg5[%swap3A_460, %swap3A_461] {strides = array<i32>} : memref<5x24xi32, #tpu.memory_space<vmem>>, vector<1x16xi32>,
      %swap3A_463 = vector.shape_cast %swap3A_462 : vector<1x16xi32> to vector<16xi32>
      %swap3A_464 = vector.shape_cast %add3A_458 : vector<16xi32> to vector<1x16xi32>
      tpu.vector_store %arg5[%swap3A_460, %swap3A_461], %swap3A_464 {strides = array<i32>} : memref<5x24xi32, #tpu.memory_space<vmem>>, vector<1x16xi32>,
      %add3A_465 = vector.broadcast %mul3A_302 : i32 to vector<16xi32>
      %add3A_466 = arith.addi %add3A_465, %mul3A_30 : vector<16xi32>
      %add3A_467 = arith.constant 2 : i32
      %add3A_468 = vector.broadcast %add3A_467 : i32 to vector<16xi32>
      %add3A_469 = arith.addi %add3A_466, %add3A_468 : vector<16xi32>
      %jit3A_470 = arith.constant 0 : i32
      %jit3A_471 = arith.constant 4094 : i32
      %max3A_472 = vector.broadcast %jit3A_470 : i32 to vector<16xi32>
      %max3A_473 = arith.maxsi %max3A_472, %add3A_469 : vector<16xi32>
      %min3A_474 = vector.broadcast %jit3A_471 : i32 to vector<16xi32>
      %min3A_475 = arith.minsi %min3A_474, %max3A_473 : vector<16xi32>
      %add3A_476 = arith.addi %mul3A_27, %min3A_475 : vector<16xi32>
      %swap3A_477 = arith.constant 4 : i32
      %swap3A_478 = arith.index_cast %swap3A_477 : i32 to index
      %swap3A_479 = arith.constant 8 : index
      %swap3A_480 = tpu.vector_load %arg5[%swap3A_478, %swap3A_479] {strides = array<i32>} : memref<5x24xi32, #tpu.memory_space<vmem>>, vector<1x16xi32>,
      %swap3A_481 = vector.shape_cast %swap3A_480 : vector<1x16xi32> to vector<16xi32>
      %swap3A_482 = vector.shape_cast %add3A_476 : vector<16xi32> to vector<1x16xi32>
      tpu.vector_store %arg5[%swap3A_478, %swap3A_479], %swap3A_482 {strides = array<i32>} : memref<5x24xi32, #tpu.memory_space<vmem>>, vector<1x16xi32>,
      %dma_start3A_483 = arith.constant 0 : i32
      %dma_start3A_484 = arith.constant 0 : i32
      %dma_start3A_485 = arith.constant 0 : i32
      %dma_start3A_486 = tpu.memref_slice %arg7[%dma_start3A_484, %dma_start3A_485] : memref<24x2560xf32, #tpu.memory_space<vmem>> -> memref<24x512xf32, #tpu.memory_space<vmem>>
      %dma_start3A_487 = arith.constant 0 : i32
      %dma_start3A_488 = tpu.memref_slice %arg5[%dma_start3A_483, %dma_start3A_487] : memref<5x24xi32, #tpu.memory_space<vmem>> -> memref<1x24xi32, #tpu.memory_space<vmem>>
      %dma_start3A_489 = tpu.memref_squeeze %dma_start3A_488 : memref<1x24xi32, #tpu.memory_space<vmem>> -> memref<24xi32, #tpu.memory_space<vmem>>
      %dma_start3A_490 = arith.constant 0 : i32
      %dma_start3A_491 = arith.constant 0 : i32
      %dma_start3A_492 = tpu.memref_slice %arg2[%dma_start3A_490, %dma_start3A_491] : memref<32768x512xf32, #tpu.memory_space<hbm>> -> memref<32768x512xf32, #tpu.memory_space<hbm>>
      tpu.enqueue_indirect_dma source(%dma_start3A_492 : memref<32768x512xf32, #tpu.memory_space<hbm>>) target(%dma_start3A_486 : memref<24x512xf32, #tpu.memory_space<vmem>>) offsets(%dma_start3A_489 : memref<24xi32, #tpu.memory_space<vmem>>) semaphore(%arg9 : memref<!tpu.dma_semaphore, #tpu.memory_space<semaphore_mem>>)
      %dma_start3A_493 = arith.constant 1 : i32
      %dma_start3A_494 = arith.constant 0 : i32
      %dma_start3A_495 = arith.constant 512 : i32
      %dma_start3A_496 = tpu.memref_slice %arg7[%dma_start3A_494, %dma_start3A_495] : memref<24x2560xf32, #tpu.memory_space<vmem>> -> memref<24x512xf32, #tpu.memory_space<vmem>>
      %dma_start3A_497 = arith.constant 0 : i32
      %dma_start3A_498 = tpu.memref_slice %arg5[%dma_start3A_493, %dma_start3A_497] : memref<5x24xi32, #tpu.memory_space<vmem>> -> memref<1x24xi32, #tpu.memory_space<vmem>>
      %dma_start3A_499 = tpu.memref_squeeze %dma_start3A_498 : memref<1x24xi32, #tpu.memory_space<vmem>> -> memref<24xi32, #tpu.memory_space<vmem>>
      %dma_start3A_500 = arith.constant 0 : i32
      %dma_start3A_501 = arith.constant 0 : i32
      %dma_start3A_502 = tpu.memref_slice %arg2[%dma_start3A_500, %dma_start3A_501] : memref<32768x512xf32, #tpu.memory_space<hbm>> -> memref<32768x512xf32, #tpu.memory_space<hbm>>
      tpu.enqueue_indirect_dma source(%dma_start3A_502 : memref<32768x512xf32, #tpu.memory_space<hbm>>) target(%dma_start3A_496 : memref<24x512xf32, #tpu.memory_space<vmem>>) offsets(%dma_start3A_499 : memref<24xi32, #tpu.memory_space<vmem>>) semaphore(%arg9 : memref<!tpu.dma_semaphore, #tpu.memory_space<semaphore_mem>>)
      %dma_start3A_503 = arith.constant 2 : i32
      %dma_start3A_504 = arith.constant 0 : i32
      %dma_start3A_505 = arith.constant 1024 : i32
      %dma_start3A_506 = tpu.memref_slice %arg7[%dma_start3A_504, %dma_start3A_505] : memref<24x2560xf32, #tpu.memory_space<vmem>> -> memref<24x512xf32, #tpu.memory_space<vmem>>
      %dma_start3A_507 = arith.constant 0 : i32
      %dma_start3A_508 = tpu.memref_slice %arg5[%dma_start3A_503, %dma_start3A_507] : memref<5x24xi32, #tpu.memory_space<vmem>> -> memref<1x24xi32, #tpu.memory_space<vmem>>
      %dma_start3A_509 = tpu.memref_squeeze %dma_start3A_508 : memref<1x24xi32, #tpu.memory_space<vmem>> -> memref<24xi32, #tpu.memory_space<vmem>>
      %dma_start3A_510 = arith.constant 0 : i32
      %dma_start3A_511 = arith.constant 0 : i32
      %dma_start3A_512 = tpu.memref_slice %arg2[%dma_start3A_510, %dma_start3A_511] : memref<32768x512xf32, #tpu.memory_space<hbm>> -> memref<32768x512xf32, #tpu.memory_space<hbm>>
      tpu.enqueue_indirect_dma source(%dma_start3A_512 : memref<32768x512xf32, #tpu.memory_space<hbm>>) target(%dma_start3A_506 : memref<24x512xf32, #tpu.memory_space<vmem>>) offsets(%dma_start3A_509 : memref<24xi32, #tpu.memory_space<vmem>>) semaphore(%arg9 : memref<!tpu.dma_semaphore, #tpu.memory_space<semaphore_mem>>)
      %dma_start3A_513 = arith.constant 3 : i32
      %dma_start3A_514 = arith.constant 0 : i32
      %dma_start3A_515 = arith.constant 1536 : i32
      %dma_start3A_516 = tpu.memref_slice %arg7[%dma_start3A_514, %dma_start3A_515] : memref<24x2560xf32, #tpu.memory_space<vmem>> -> memref<24x512xf32, #tpu.memory_space<vmem>>
      %dma_start3A_517 = arith.constant 0 : i32
      %dma_start3A_518 = tpu.memref_slice %arg5[%dma_start3A_513, %dma_start3A_517] : memref<5x24xi32, #tpu.memory_space<vmem>> -> memref<1x24xi32, #tpu.memory_space<vmem>>
      %dma_start3A_519 = tpu.memref_squeeze %dma_start3A_518 : memref<1x24xi32, #tpu.memory_space<vmem>> -> memref<24xi32, #tpu.memory_space<vmem>>
      %dma_start3A_520 = arith.constant 0 : i32
      %dma_start3A_521 = arith.constant 0 : i32
      %dma_start3A_522 = tpu.memref_slice %arg2[%dma_start3A_520, %dma_start3A_521] : memref<32768x512xf32, #tpu.memory_space<hbm>> -> memref<32768x512xf32, #tpu.memory_space<hbm>>
      tpu.enqueue_indirect_dma source(%dma_start3A_522 : memref<32768x512xf32, #tpu.memory_space<hbm>>) target(%dma_start3A_516 : memref<24x512xf32, #tpu.memory_space<vmem>>) offsets(%dma_start3A_519 : memref<24xi32, #tpu.memory_space<vmem>>) semaphore(%arg9 : memref<!tpu.dma_semaphore, #tpu.memory_space<semaphore_mem>>)
      %dma_start3A_523 = arith.constant 4 : i32
      %dma_start3A_524 = arith.constant 0 : i32
      %dma_start3A_525 = arith.constant 2048 : i32
      %dma_start3A_526 = tpu.memref_slice %arg7[%dma_start3A_524, %dma_start3A_525] : memref<24x2560xf32, #tpu.memory_space<vmem>> -> memref<24x512xf32, #tpu.memory_space<vmem>>
      %dma_start3A_527 = arith.constant 0 : i32
      %dma_start3A_528 = tpu.memref_slice %arg5[%dma_start3A_523, %dma_start3A_527] : memref<5x24xi32, #tpu.memory_space<vmem>> -> memref<1x24xi32, #tpu.memory_space<vmem>>
      %dma_start3A_529 = tpu.memref_squeeze %dma_start3A_528 : memref<1x24xi32, #tpu.memory_space<vmem>> -> memref<24xi32, #tpu.memory_space<vmem>>
      %dma_start3A_530 = arith.constant 0 : i32
      %dma_start3A_531 = arith.constant 0 : i32
      %dma_start3A_532 = tpu.memref_slice %arg2[%dma_start3A_530, %dma_start3A_531] : memref<32768x512xf32, #tpu.memory_space<hbm>> -> memref<32768x512xf32, #tpu.memory_space<hbm>>
      tpu.enqueue_indirect_dma source(%dma_start3A_532 : memref<32768x512xf32, #tpu.memory_space<hbm>>) target(%dma_start3A_526 : memref<24x512xf32, #tpu.memory_space<vmem>>) offsets(%dma_start3A_529 : memref<24xi32, #tpu.memory_space<vmem>>) semaphore(%arg9 : memref<!tpu.dma_semaphore, #tpu.memory_space<semaphore_mem>>)
      %dma_wait3A_533 = arith.constant 0 : i32
      %dma_wait3A_534 = arith.constant 0 : i32
      %dma_wait3A_535 = arith.constant 0 : i32
      %dma_wait3A_536 = tpu.memref_slice %arg6[%dma_wait3A_534, %dma_wait3A_535] : memref<24x2560xf32, #tpu.memory_space<vmem>> -> memref<24x512xf32, #tpu.memory_space<vmem>>
      %dma_wait3A_537 = arith.constant 0 : i32
      %dma_wait3A_538 = tpu.memref_slice %arg4[%dma_wait3A_533, %dma_wait3A_537] : memref<5x24xi32, #tpu.memory_space<vmem>> -> memref<1x24xi32, #tpu.memory_space<vmem>>
      %dma_wait3A_539 = tpu.memref_squeeze %dma_wait3A_538 : memref<1x24xi32, #tpu.memory_space<vmem>> -> memref<24xi32, #tpu.memory_space<vmem>>
      %dma_wait3A_540 = arith.constant 0 : i32
      %dma_wait3A_541 = arith.constant 0 : i32
      %dma_wait3A_542 = tpu.memref_slice %arg2[%dma_wait3A_540, %dma_wait3A_541] : memref<32768x512xf32, #tpu.memory_space<hbm>> -> memref<32768x512xf32, #tpu.memory_space<hbm>>
      tpu.wait_indirect_dma semaphore(%arg8 : memref<!tpu.dma_semaphore, #tpu.memory_space<semaphore_mem>>) src(%dma_wait3A_542 : memref<32768x512xf32, #tpu.memory_space<hbm>>) dst(%dma_wait3A_536 : memref<24x512xf32, #tpu.memory_space<vmem>>)
      %dma_wait3A_543 = arith.constant 1 : i32
      %dma_wait3A_544 = arith.constant 0 : i32
      %dma_wait3A_545 = arith.constant 512 : i32
      %dma_wait3A_546 = tpu.memref_slice %arg6[%dma_wait3A_544, %dma_wait3A_545] : memref<24x2560xf32, #tpu.memory_space<vmem>> -> memref<24x512xf32, #tpu.memory_space<vmem>>
      %dma_wait3A_547 = arith.constant 0 : i32
      %dma_wait3A_548 = tpu.memref_slice %arg4[%dma_wait3A_543, %dma_wait3A_547] : memref<5x24xi32, #tpu.memory_space<vmem>> -> memref<1x24xi32, #tpu.memory_space<vmem>>
      %dma_wait3A_549 = tpu.memref_squeeze %dma_wait3A_548 : memref<1x24xi32, #tpu.memory_space<vmem>> -> memref<24xi32, #tpu.memory_space<vmem>>
      %dma_wait3A_550 = arith.constant 0 : i32
      %dma_wait3A_551 = arith.constant 0 : i32
      %dma_wait3A_552 = tpu.memref_slice %arg2[%dma_wait3A_550, %dma_wait3A_551] : memref<32768x512xf32, #tpu.memory_space<hbm>> -> memref<32768x512xf32, #tpu.memory_space<hbm>>
      tpu.wait_indirect_dma semaphore(%arg8 : memref<!tpu.dma_semaphore, #tpu.memory_space<semaphore_mem>>) src(%dma_wait3A_552 : memref<32768x512xf32, #tpu.memory_space<hbm>>) dst(%dma_wait3A_546 : memref<24x512xf32, #tpu.memory_space<vmem>>)
      %dma_wait3A_553 = arith.constant 2 : i32
      %dma_wait3A_554 = arith.constant 0 : i32
      %dma_wait3A_555 = arith.constant 1024 : i32
      %dma_wait3A_556 = tpu.memref_slice %arg6[%dma_wait3A_554, %dma_wait3A_555] : memref<24x2560xf32, #tpu.memory_space<vmem>> -> memref<24x512xf32, #tpu.memory_space<vmem>>
      %dma_wait3A_557 = arith.constant 0 : i32
      %dma_wait3A_558 = tpu.memref_slice %arg4[%dma_wait3A_553, %dma_wait3A_557] : memref<5x24xi32, #tpu.memory_space<vmem>> -> memref<1x24xi32, #tpu.memory_space<vmem>>
      %dma_wait3A_559 = tpu.memref_squeeze %dma_wait3A_558 : memref<1x24xi32, #tpu.memory_space<vmem>> -> memref<24xi32, #tpu.memory_space<vmem>>
      %dma_wait3A_560 = arith.constant 0 : i32
      %dma_wait3A_561 = arith.constant 0 : i32
      %dma_wait3A_562 = tpu.memref_slice %arg2[%dma_wait3A_560, %dma_wait3A_561] : memref<32768x512xf32, #tpu.memory_space<hbm>> -> memref<32768x512xf32, #tpu.memory_space<hbm>>
      tpu.wait_indirect_dma semaphore(%arg8 : memref<!tpu.dma_semaphore, #tpu.memory_space<semaphore_mem>>) src(%dma_wait3A_562 : memref<32768x512xf32, #tpu.memory_space<hbm>>) dst(%dma_wait3A_556 : memref<24x512xf32, #tpu.memory_space<vmem>>)
      %dma_wait3A_563 = arith.constant 3 : i32
      %dma_wait3A_564 = arith.constant 0 : i32
      %dma_wait3A_565 = arith.constant 1536 : i32
      %dma_wait3A_566 = tpu.memref_slice %arg6[%dma_wait3A_564, %dma_wait3A_565] : memref<24x2560xf32, #tpu.memory_space<vmem>> -> memref<24x512xf32, #tpu.memory_space<vmem>>
      %dma_wait3A_567 = arith.constant 0 : i32
      %dma_wait3A_568 = tpu.memref_slice %arg4[%dma_wait3A_563, %dma_wait3A_567] : memref<5x24xi32, #tpu.memory_space<vmem>> -> memref<1x24xi32, #tpu.memory_space<vmem>>
      %dma_wait3A_569 = tpu.memref_squeeze %dma_wait3A_568 : memref<1x24xi32, #tpu.memory_space<vmem>> -> memref<24xi32, #tpu.memory_space<vmem>>
      %dma_wait3A_570 = arith.constant 0 : i32
      %dma_wait3A_571 = arith.constant 0 : i32
      %dma_wait3A_572 = tpu.memref_slice %arg2[%dma_wait3A_570, %dma_wait3A_571] : memref<32768x512xf32, #tpu.memory_space<hbm>> -> memref<32768x512xf32, #tpu.memory_space<hbm>>
      tpu.wait_indirect_dma semaphore(%arg8 : memref<!tpu.dma_semaphore, #tpu.memory_space<semaphore_mem>>) src(%dma_wait3A_572 : memref<32768x512xf32, #tpu.memory_space<hbm>>) dst(%dma_wait3A_566 : memref<24x512xf32, #tpu.memory_space<vmem>>)
      %dma_wait3A_573 = arith.constant 4 : i32
      %dma_wait3A_574 = arith.constant 0 : i32
      %dma_wait3A_575 = arith.constant 2048 : i32
      %dma_wait3A_576 = tpu.memref_slice %arg6[%dma_wait3A_574, %dma_wait3A_575] : memref<24x2560xf32, #tpu.memory_space<vmem>> -> memref<24x512xf32, #tpu.memory_space<vmem>>
      %dma_wait3A_577 = arith.constant 0 : i32
      %dma_wait3A_578 = tpu.memref_slice %arg4[%dma_wait3A_573, %dma_wait3A_577] : memref<5x24xi32, #tpu.memory_space<vmem>> -> memref<1x24xi32, #tpu.memory_space<vmem>>
      %dma_wait3A_579 = tpu.memref_squeeze %dma_wait3A_578 : memref<1x24xi32, #tpu.memory_space<vmem>> -> memref<24xi32, #tpu.memory_space<vmem>>
      %dma_wait3A_580 = arith.constant 0 : i32
      %dma_wait3A_581 = arith.constant 0 : i32
      %dma_wait3A_582 = tpu.memref_slice %arg2[%dma_wait3A_580, %dma_wait3A_581] : memref<32768x512xf32, #tpu.memory_space<hbm>> -> memref<32768x512xf32, #tpu.memory_space<hbm>>
      tpu.wait_indirect_dma semaphore(%arg8 : memref<!tpu.dma_semaphore, #tpu.memory_space<semaphore_mem>>) src(%dma_wait3A_582 : memref<32768x512xf32, #tpu.memory_space<hbm>>) dst(%dma_wait3A_576 : memref<24x512xf32, #tpu.memory_space<vmem>>)
      %mul3A_583 = arith.constant 2 : i32
      %mul3A_584 = arith.muli %mul3A_583, %add3A_289 : i32
      %mul3A_585 = arith.constant 32 : i32
      %mul3A_586 = arith.muli %mul3A_584, %mul3A_585 : i32
      %add3A_587 = arith.addi %add3A, %mul3A_586 : i32
      %mul3A_588 = arith.constant 3 : i32
      %mul3A_589 = arith.muli %add3A_587, %mul3A_588 : i32
      %dma_start3A_590 = tpu.memref_reshape %arg6 : memref<24x2560xf32, #tpu.memory_space<vmem>> -> memref<3x8x2560xf32, #tpu.memory_space<vmem>>
      %dma_start3A_591 = arith.constant 0 : i32
      %dma_start3A_592 = arith.constant 0 : i32
      %dma_start3A_593 = tpu.memref_slice %arg3[%mul3A_589, %dma_start3A_591, %dma_start3A_592] : memref<1365x8x2560xf32, #tpu.memory_space<hbm>> -> memref<3x8x2560xf32, #tpu.memory_space<hbm>>
      %dma_start3A_594 = arith.constant 0 : i32
      %dma_start3A_595 = arith.constant 0 : i32
      %dma_start3A_596 = tpu.memref_slice %arg3[%mul3A_589, %dma_start3A_594, %dma_start3A_595] : memref<1365x8x2560xf32, #tpu.memory_space<hbm>> -> memref<3x8x2560xf32, #tpu.memory_space<hbm>>
      %dma_start3A_597 = tpu.memref_reshape %arg6 : memref<24x2560xf32, #tpu.memory_space<vmem>> -> memref<3x8x2560xf32, #tpu.memory_space<vmem>>
      tpu.enqueue_dma source(%dma_start3A_597 : memref<3x8x2560xf32, #tpu.memory_space<vmem>>) target(%dma_start3A_596 : memref<3x8x2560xf32, #tpu.memory_space<hbm>>) target_semaphore(%arg10 : memref<!tpu.dma_semaphore, #tpu.memory_space<semaphore_mem>>)
      %lt3A_598 = arith.constant 6 : i32
      %lt3A_599 = arith.cmpi slt, %add3A_289, %lt3A_598 : i32
      %convert_element_type3A_600 = arith.extui %lt3A_599 : i1 to i32
      %cond3A_601 = arith.constant 0 : i32
      %cond3A_602 = arith.cmpi ne, %convert_element_type3A_600, %cond3A_601 : i32
      scf.if %cond3A_602 {
        %dma_wait3A_670 = tpu.memref_reshape %arg6 : memref<24x2560xf32, #tpu.memory_space<vmem>> -> memref<3x8x2560xf32, #tpu.memory_space<vmem>>
        %dma_wait3A_671 = arith.constant 0 : i32
        %dma_wait3A_672 = arith.constant 0 : i32
        %dma_wait3A_673 = arith.constant 0 : i32
        %dma_wait3A_674 = tpu.memref_slice %arg3[%dma_wait3A_671, %dma_wait3A_672, %dma_wait3A_673] : memref<1365x8x2560xf32, #tpu.memory_space<hbm>> -> memref<3x8x2560xf32, #tpu.memory_space<hbm>>
        %dma_wait3A_675 = arith.constant 0 : i32
        %dma_wait3A_676 = arith.constant 0 : i32
        %dma_wait3A_677 = arith.constant 0 : i32
        %dma_wait3A_678 = tpu.memref_slice %arg3[%dma_wait3A_675, %dma_wait3A_676, %dma_wait3A_677] : memref<1365x8x2560xf32, #tpu.memory_space<hbm>> -> memref<3x8x2560xf32, #tpu.memory_space<hbm>>
        %dma_wait3A_679 = tpu.memref_reshape %arg6 : memref<24x2560xf32, #tpu.memory_space<vmem>> -> memref<3x8x2560xf32, #tpu.memory_space<vmem>>
        tpu.wait_dma2 semaphore(%arg10 : memref<!tpu.dma_semaphore, #tpu.memory_space<semaphore_mem>>) src(%dma_wait3A_679 : memref<3x8x2560xf32, #tpu.memory_space<vmem>>) dst(%dma_wait3A_678 : memref<3x8x2560xf32, #tpu.memory_space<hbm>>)
        %mul3A_680 = arith.constant 2 : i32
        %mul3A_681 = arith.muli %mul3A_680, %add3A_289 : i32
        %add3A_682 = arith.constant 2 : i32
        %add3A_683 = arith.addi %mul3A_681, %add3A_682 : i32
        %mul3A_684 = arith.constant 32 : i32
        %mul3A_685 = arith.muli %add3A_683, %mul3A_684 : i32
        %add3A_686 = arith.addi %add3A, %mul3A_685 : i32
        %mul3A_687 = arith.constant 9 : i32
        %mul3A_688 = arith.muli %add3A_686, %mul3A_687 : i32
        %add3A_689 = vector.broadcast %mul3A_688 : i32 to vector<16xi32>
        %add3A_690 = arith.addi %add3A_689, %mul3A_14 : vector<16xi32>
        %add3A_691 = arith.constant -2 : i32
        %add3A_692 = vector.broadcast %add3A_691 : i32 to vector<16xi32>
        %add3A_693 = arith.addi %add3A_690, %add3A_692 : vector<16xi32>
        %jit3A_694 = arith.constant 0 : i32
        %jit3A_695 = arith.constant 4094 : i32
        %max3A_696 = vector.broadcast %jit3A_694 : i32 to vector<16xi32>
        %max3A_697 = arith.maxsi %max3A_696, %add3A_693 : vector<16xi32>
        %min3A_698 = vector.broadcast %jit3A_695 : i32 to vector<16xi32>
        %min3A_699 = arith.minsi %min3A_698, %max3A_697 : vector<16xi32>
        %add3A_700 = arith.addi %mul3A_11, %min3A_699 : vector<16xi32>
        %swap3A_701 = arith.constant 0 : i32
        %swap3A_702 = arith.index_cast %swap3A_701 : i32 to index
        %swap3A_703 = arith.constant 0 : index
        %swap3A_704 = tpu.vector_load %arg4[%swap3A_702, %swap3A_703] {strides = array<i32>} : memref<5x24xi32, #tpu.memory_space<vmem>>, vector<1x16xi32>,
        %swap3A_705 = vector.shape_cast %swap3A_704 : vector<1x16xi32> to vector<16xi32>
        %swap3A_706 = vector.shape_cast %add3A_700 : vector<16xi32> to vector<1x16xi32>
        tpu.vector_store %arg4[%swap3A_702, %swap3A_703], %swap3A_706 {strides = array<i32>} : memref<5x24xi32, #tpu.memory_space<vmem>>, vector<1x16xi32>,
        %add3A_707 = vector.broadcast %mul3A_688 : i32 to vector<16xi32>
        %add3A_708 = arith.addi %add3A_707, %mul3A_14 : vector<16xi32>
        %add3A_709 = arith.constant -1 : i32
        %add3A_710 = vector.broadcast %add3A_709 : i32 to vector<16xi32>
        %add3A_711 = arith.addi %add3A_708, %add3A_710 : vector<16xi32>
        %jit3A_712 = arith.constant 0 : i32
        %jit3A_713 = arith.constant 4094 : i32
        %max3A_714 = vector.broadcast %jit3A_712 : i32 to vector<16xi32>
        %max3A_715 = arith.maxsi %max3A_714, %add3A_711 : vector<16xi32>
        %min3A_716 = vector.broadcast %jit3A_713 : i32 to vector<16xi32>
        %min3A_717 = arith.minsi %min3A_716, %max3A_715 : vector<16xi32>
        %add3A_718 = arith.addi %mul3A_11, %min3A_717 : vector<16xi32>
        %swap3A_719 = arith.constant 1 : i32
        %swap3A_720 = arith.index_cast %swap3A_719 : i32 to index
        %swap3A_721 = arith.constant 0 : index
        %swap3A_722 = tpu.vector_load %arg4[%swap3A_720, %swap3A_721] {strides = array<i32>} : memref<5x24xi32, #tpu.memory_space<vmem>>, vector<1x16xi32>,
        %swap3A_723 = vector.shape_cast %swap3A_722 : vector<1x16xi32> to vector<16xi32>
        %swap3A_724 = vector.shape_cast %add3A_718 : vector<16xi32> to vector<1x16xi32>
        tpu.vector_store %arg4[%swap3A_720, %swap3A_721], %swap3A_724 {strides = array<i32>} : memref<5x24xi32, #tpu.memory_space<vmem>>, vector<1x16xi32>,
        %add3A_725 = vector.broadcast %mul3A_688 : i32 to vector<16xi32>
        %add3A_726 = arith.addi %add3A_725, %mul3A_14 : vector<16xi32>
        %add3A_727 = arith.constant 0 : i32
        %add3A_728 = vector.broadcast %add3A_727 : i32 to vector<16xi32>
        %add3A_729 = arith.addi %add3A_726, %add3A_728 : vector<16xi32>
        %jit3A_730 = arith.constant 0 : i32
        %jit3A_731 = arith.constant 4094 : i32
        %max3A_732 = vector.broadcast %jit3A_730 : i32 to vector<16xi32>
        %max3A_733 = arith.maxsi %max3A_732, %add3A_729 : vector<16xi32>
        %min3A_734 = vector.broadcast %jit3A_731 : i32 to vector<16xi32>
        %min3A_735 = arith.minsi %min3A_734, %max3A_733 : vector<16xi32>
        %add3A_736 = arith.addi %mul3A_11, %min3A_735 : vector<16xi32>
        %swap3A_737 = arith.constant 2 : i32
        %swap3A_738 = arith.index_cast %swap3A_737 : i32 to index
        %swap3A_739 = arith.constant 0 : index
        %swap3A_740 = tpu.vector_load %arg4[%swap3A_738, %swap3A_739] {strides = array<i32>} : memref<5x24xi32, #tpu.memory_space<vmem>>, vector<1x16xi32>,
        %swap3A_741 = vector.shape_cast %swap3A_740 : vector<1x16xi32> to vector<16xi32>
        %swap3A_742 = vector.shape_cast %add3A_736 : vector<16xi32> to vector<1x16xi32>
        tpu.vector_store %arg4[%swap3A_738, %swap3A_739], %swap3A_742 {strides = array<i32>} : memref<5x24xi32, #tpu.memory_space<vmem>>, vector<1x16xi32>,
        %add3A_743 = vector.broadcast %mul3A_688 : i32 to vector<16xi32>
        %add3A_744 = arith.addi %add3A_743, %mul3A_14 : vector<16xi32>
        %add3A_745 = arith.constant 1 : i32
        %add3A_746 = vector.broadcast %add3A_745 : i32 to vector<16xi32>
        %add3A_747 = arith.addi %add3A_744, %add3A_746 : vector<16xi32>
        %jit3A_748 = arith.constant 0 : i32
        %jit3A_749 = arith.constant 4094 : i32
        %max3A_750 = vector.broadcast %jit3A_748 : i32 to vector<16xi32>
        %max3A_751 = arith.maxsi %max3A_750, %add3A_747 : vector<16xi32>
        %min3A_752 = vector.broadcast %jit3A_749 : i32 to vector<16xi32>
        %min3A_753 = arith.minsi %min3A_752, %max3A_751 : vector<16xi32>
        %add3A_754 = arith.addi %mul3A_11, %min3A_753 : vector<16xi32>
        %swap3A_755 = arith.constant 3 : i32
        %swap3A_756 = arith.index_cast %swap3A_755 : i32 to index
        %swap3A_757 = arith.constant 0 : index
        %swap3A_758 = tpu.vector_load %arg4[%swap3A_756, %swap3A_757] {strides = array<i32>} : memref<5x24xi32, #tpu.memory_space<vmem>>, vector<1x16xi32>,
        %swap3A_759 = vector.shape_cast %swap3A_758 : vector<1x16xi32> to vector<16xi32>
        %swap3A_760 = vector.shape_cast %add3A_754 : vector<16xi32> to vector<1x16xi32>
        tpu.vector_store %arg4[%swap3A_756, %swap3A_757], %swap3A_760 {strides = array<i32>} : memref<5x24xi32, #tpu.memory_space<vmem>>, vector<1x16xi32>,
        %add3A_761 = vector.broadcast %mul3A_688 : i32 to vector<16xi32>
        %add3A_762 = arith.addi %add3A_761, %mul3A_14 : vector<16xi32>
        %add3A_763 = arith.constant 2 : i32
        %add3A_764 = vector.broadcast %add3A_763 : i32 to vector<16xi32>
        %add3A_765 = arith.addi %add3A_762, %add3A_764 : vector<16xi32>
        %jit3A_766 = arith.constant 0 : i32
        %jit3A_767 = arith.constant 4094 : i32
        %max3A_768 = vector.broadcast %jit3A_766 : i32 to vector<16xi32>
        %max3A_769 = arith.maxsi %max3A_768, %add3A_765 : vector<16xi32>
        %min3A_770 = vector.broadcast %jit3A_767 : i32 to vector<16xi32>
        %min3A_771 = arith.minsi %min3A_770, %max3A_769 : vector<16xi32>
        %add3A_772 = arith.addi %mul3A_11, %min3A_771 : vector<16xi32>
        %swap3A_773 = arith.constant 4 : i32
        %swap3A_774 = arith.index_cast %swap3A_773 : i32 to index
        %swap3A_775 = arith.constant 0 : index
        %swap3A_776 = tpu.vector_load %arg4[%swap3A_774, %swap3A_775] {strides = array<i32>} : memref<5x24xi32, #tpu.memory_space<vmem>>, vector<1x16xi32>,
        %swap3A_777 = vector.shape_cast %swap3A_776 : vector<1x16xi32> to vector<16xi32>
        %swap3A_778 = vector.shape_cast %add3A_772 : vector<16xi32> to vector<1x16xi32>
        tpu.vector_store %arg4[%swap3A_774, %swap3A_775], %swap3A_778 {strides = array<i32>} : memref<5x24xi32, #tpu.memory_space<vmem>>, vector<1x16xi32>,
        %add3A_779 = vector.broadcast %mul3A_688 : i32 to vector<16xi32>
        %add3A_780 = arith.addi %add3A_779, %mul3A_30 : vector<16xi32>
        %add3A_781 = arith.constant -2 : i32
        %add3A_782 = vector.broadcast %add3A_781 : i32 to vector<16xi32>
        %add3A_783 = arith.addi %add3A_780, %add3A_782 : vector<16xi32>
        %jit3A_784 = arith.constant 0 : i32
        %jit3A_785 = arith.constant 4094 : i32
        %max3A_786 = vector.broadcast %jit3A_784 : i32 to vector<16xi32>
        %max3A_787 = arith.maxsi %max3A_786, %add3A_783 : vector<16xi32>
        %min3A_788 = vector.broadcast %jit3A_785 : i32 to vector<16xi32>
        %min3A_789 = arith.minsi %min3A_788, %max3A_787 : vector<16xi32>
        %add3A_790 = arith.addi %mul3A_27, %min3A_789 : vector<16xi32>
        %swap3A_791 = arith.constant 0 : i32
        %swap3A_792 = arith.index_cast %swap3A_791 : i32 to index
        %swap3A_793 = arith.constant 8 : index
        %swap3A_794 = tpu.vector_load %arg4[%swap3A_792, %swap3A_793] {strides = array<i32>} : memref<5x24xi32, #tpu.memory_space<vmem>>, vector<1x16xi32>,
        %swap3A_795 = vector.shape_cast %swap3A_794 : vector<1x16xi32> to vector<16xi32>
        %swap3A_796 = vector.shape_cast %add3A_790 : vector<16xi32> to vector<1x16xi32>
        tpu.vector_store %arg4[%swap3A_792, %swap3A_793], %swap3A_796 {strides = array<i32>} : memref<5x24xi32, #tpu.memory_space<vmem>>, vector<1x16xi32>,
        %add3A_797 = vector.broadcast %mul3A_688 : i32 to vector<16xi32>
        %add3A_798 = arith.addi %add3A_797, %mul3A_30 : vector<16xi32>
        %add3A_799 = arith.constant -1 : i32
        %add3A_800 = vector.broadcast %add3A_799 : i32 to vector<16xi32>
        %add3A_801 = arith.addi %add3A_798, %add3A_800 : vector<16xi32>
        %jit3A_802 = arith.constant 0 : i32
        %jit3A_803 = arith.constant 4094 : i32
        %max3A_804 = vector.broadcast %jit3A_802 : i32 to vector<16xi32>
        %max3A_805 = arith.maxsi %max3A_804, %add3A_801 : vector<16xi32>
        %min3A_806 = vector.broadcast %jit3A_803 : i32 to vector<16xi32>
        %min3A_807 = arith.minsi %min3A_806, %max3A_805 : vector<16xi32>
        %add3A_808 = arith.addi %mul3A_27, %min3A_807 : vector<16xi32>
        %swap3A_809 = arith.constant 1 : i32
        %swap3A_810 = arith.index_cast %swap3A_809 : i32 to index
        %swap3A_811 = arith.constant 8 : index
        %swap3A_812 = tpu.vector_load %arg4[%swap3A_810, %swap3A_811] {strides = array<i32>} : memref<5x24xi32, #tpu.memory_space<vmem>>, vector<1x16xi32>,
        %swap3A_813 = vector.shape_cast %swap3A_812 : vector<1x16xi32> to vector<16xi32>
        %swap3A_814 = vector.shape_cast %add3A_808 : vector<16xi32> to vector<1x16xi32>
        tpu.vector_store %arg4[%swap3A_810, %swap3A_811], %swap3A_814 {strides = array<i32>} : memref<5x24xi32, #tpu.memory_space<vmem>>, vector<1x16xi32>,
        %add3A_815 = vector.broadcast %mul3A_688 : i32 to vector<16xi32>
        %add3A_816 = arith.addi %add3A_815, %mul3A_30 : vector<16xi32>
        %add3A_817 = arith.constant 0 : i32
        %add3A_818 = vector.broadcast %add3A_817 : i32 to vector<16xi32>
        %add3A_819 = arith.addi %add3A_816, %add3A_818 : vector<16xi32>
        %jit3A_820 = arith.constant 0 : i32
        %jit3A_821 = arith.constant 4094 : i32
        %max3A_822 = vector.broadcast %jit3A_820 : i32 to vector<16xi32>
        %max3A_823 = arith.maxsi %max3A_822, %add3A_819 : vector<16xi32>
        %min3A_824 = vector.broadcast %jit3A_821 : i32 to vector<16xi32>
        %min3A_825 = arith.minsi %min3A_824, %max3A_823 : vector<16xi32>
        %add3A_826 = arith.addi %mul3A_27, %min3A_825 : vector<16xi32>
        %swap3A_827 = arith.constant 2 : i32
        %swap3A_828 = arith.index_cast %swap3A_827 : i32 to index
        %swap3A_829 = arith.constant 8 : index
        %swap3A_830 = tpu.vector_load %arg4[%swap3A_828, %swap3A_829] {strides = array<i32>} : memref<5x24xi32, #tpu.memory_space<vmem>>, vector<1x16xi32>,
        %swap3A_831 = vector.shape_cast %swap3A_830 : vector<1x16xi32> to vector<16xi32>
        %swap3A_832 = vector.shape_cast %add3A_826 : vector<16xi32> to vector<1x16xi32>
        tpu.vector_store %arg4[%swap3A_828, %swap3A_829], %swap3A_832 {strides = array<i32>} : memref<5x24xi32, #tpu.memory_space<vmem>>, vector<1x16xi32>,
        %add3A_833 = vector.broadcast %mul3A_688 : i32 to vector<16xi32>
        %add3A_834 = arith.addi %add3A_833, %mul3A_30 : vector<16xi32>
        %add3A_835 = arith.constant 1 : i32
        %add3A_836 = vector.broadcast %add3A_835 : i32 to vector<16xi32>
        %add3A_837 = arith.addi %add3A_834, %add3A_836 : vector<16xi32>
        %jit3A_838 = arith.constant 0 : i32
        %jit3A_839 = arith.constant 4094 : i32
        %max3A_840 = vector.broadcast %jit3A_838 : i32 to vector<16xi32>
        %max3A_841 = arith.maxsi %max3A_840, %add3A_837 : vector<16xi32>
        %min3A_842 = vector.broadcast %jit3A_839 : i32 to vector<16xi32>
        %min3A_843 = arith.minsi %min3A_842, %max3A_841 : vector<16xi32>
        %add3A_844 = arith.addi %mul3A_27, %min3A_843 : vector<16xi32>
        %swap3A_845 = arith.constant 3 : i32
        %swap3A_846 = arith.index_cast %swap3A_845 : i32 to index
        %swap3A_847 = arith.constant 8 : index
        %swap3A_848 = tpu.vector_load %arg4[%swap3A_846, %swap3A_847] {strides = array<i32>} : memref<5x24xi32, #tpu.memory_space<vmem>>, vector<1x16xi32>,
        %swap3A_849 = vector.shape_cast %swap3A_848 : vector<1x16xi32> to vector<16xi32>
        %swap3A_850 = vector.shape_cast %add3A_844 : vector<16xi32> to vector<1x16xi32>
        tpu.vector_store %arg4[%swap3A_846, %swap3A_847], %swap3A_850 {strides = array<i32>} : memref<5x24xi32, #tpu.memory_space<vmem>>, vector<1x16xi32>,
        %add3A_851 = vector.broadcast %mul3A_688 : i32 to vector<16xi32>
        %add3A_852 = arith.addi %add3A_851, %mul3A_30 : vector<16xi32>
        %add3A_853 = arith.constant 2 : i32
        %add3A_854 = vector.broadcast %add3A_853 : i32 to vector<16xi32>
        %add3A_855 = arith.addi %add3A_852, %add3A_854 : vector<16xi32>
        %jit3A_856 = arith.constant 0 : i32
        %jit3A_857 = arith.constant 4094 : i32
        %max3A_858 = vector.broadcast %jit3A_856 : i32 to vector<16xi32>
        %max3A_859 = arith.maxsi %max3A_858, %add3A_855 : vector<16xi32>
        %min3A_860 = vector.broadcast %jit3A_857 : i32 to vector<16xi32>
        %min3A_861 = arith.minsi %min3A_860, %max3A_859 : vector<16xi32>
        %add3A_862 = arith.addi %mul3A_27, %min3A_861 : vector<16xi32>
        %swap3A_863 = arith.constant 4 : i32
        %swap3A_864 = arith.index_cast %swap3A_863 : i32 to index
        %swap3A_865 = arith.constant 8 : index
        %swap3A_866 = tpu.vector_load %arg4[%swap3A_864, %swap3A_865] {strides = array<i32>} : memref<5x24xi32, #tpu.memory_space<vmem>>, vector<1x16xi32>,
        %swap3A_867 = vector.shape_cast %swap3A_866 : vector<1x16xi32> to vector<16xi32>
        %swap3A_868 = vector.shape_cast %add3A_862 : vector<16xi32> to vector<1x16xi32>
        tpu.vector_store %arg4[%swap3A_864, %swap3A_865], %swap3A_868 {strides = array<i32>} : memref<5x24xi32, #tpu.memory_space<vmem>>, vector<1x16xi32>,
        %dma_start3A_869 = arith.constant 0 : i32
        %dma_start3A_870 = arith.constant 0 : i32
        %dma_start3A_871 = arith.constant 0 : i32
        %dma_start3A_872 = tpu.memref_slice %arg6[%dma_start3A_870, %dma_start3A_871] : memref<24x2560xf32, #tpu.memory_space<vmem>> -> memref<24x512xf32, #tpu.memory_space<vmem>>
        %dma_start3A_873 = arith.constant 0 : i32
        %dma_start3A_874 = tpu.memref_slice %arg4[%dma_start3A_869, %dma_start3A_873] : memref<5x24xi32, #tpu.memory_space<vmem>> -> memref<1x24xi32, #tpu.memory_space<vmem>>
        %dma_start3A_875 = tpu.memref_squeeze %dma_start3A_874 : memref<1x24xi32, #tpu.memory_space<vmem>> -> memref<24xi32, #tpu.memory_space<vmem>>
        %dma_start3A_876 = arith.constant 0 : i32
        %dma_start3A_877 = arith.constant 0 : i32
        %dma_start3A_878 = tpu.memref_slice %arg2[%dma_start3A_876, %dma_start3A_877] : memref<32768x512xf32, #tpu.memory_space<hbm>> -> memref<32768x512xf32, #tpu.memory_space<hbm>>
        tpu.enqueue_indirect_dma source(%dma_start3A_878 : memref<32768x512xf32, #tpu.memory_space<hbm>>) target(%dma_start3A_872 : memref<24x512xf32, #tpu.memory_space<vmem>>) offsets(%dma_start3A_875 : memref<24xi32, #tpu.memory_space<vmem>>) semaphore(%arg8 : memref<!tpu.dma_semaphore, #tpu.memory_space<semaphore_mem>>)
        %dma_start3A_879 = arith.constant 1 : i32
        %dma_start3A_880 = arith.constant 0 : i32
        %dma_start3A_881 = arith.constant 512 : i32
        %dma_start3A_882 = tpu.memref_slice %arg6[%dma_start3A_880, %dma_start3A_881] : memref<24x2560xf32, #tpu.memory_space<vmem>> -> memref<24x512xf32, #tpu.memory_space<vmem>>
        %dma_start3A_883 = arith.constant 0 : i32
        %dma_start3A_884 = tpu.memref_slice %arg4[%dma_start3A_879, %dma_start3A_883] : memref<5x24xi32, #tpu.memory_space<vmem>> -> memref<1x24xi32, #tpu.memory_space<vmem>>
        %dma_start3A_885 = tpu.memref_squeeze %dma_start3A_884 : memref<1x24xi32, #tpu.memory_space<vmem>> -> memref<24xi32, #tpu.memory_space<vmem>>
        %dma_start3A_886 = arith.constant 0 : i32
        %dma_start3A_887 = arith.constant 0 : i32
        %dma_start3A_888 = tpu.memref_slice %arg2[%dma_start3A_886, %dma_start3A_887] : memref<32768x512xf32, #tpu.memory_space<hbm>> -> memref<32768x512xf32, #tpu.memory_space<hbm>>
        tpu.enqueue_indirect_dma source(%dma_start3A_888 : memref<32768x512xf32, #tpu.memory_space<hbm>>) target(%dma_start3A_882 : memref<24x512xf32, #tpu.memory_space<vmem>>) offsets(%dma_start3A_885 : memref<24xi32, #tpu.memory_space<vmem>>) semaphore(%arg8 : memref<!tpu.dma_semaphore, #tpu.memory_space<semaphore_mem>>)
        %dma_start3A_889 = arith.constant 2 : i32
        %dma_start3A_890 = arith.constant 0 : i32
        %dma_start3A_891 = arith.constant 1024 : i32
        %dma_start3A_892 = tpu.memref_slice %arg6[%dma_start3A_890, %dma_start3A_891] : memref<24x2560xf32, #tpu.memory_space<vmem>> -> memref<24x512xf32, #tpu.memory_space<vmem>>
        %dma_start3A_893 = arith.constant 0 : i32
        %dma_start3A_894 = tpu.memref_slice %arg4[%dma_start3A_889, %dma_start3A_893] : memref<5x24xi32, #tpu.memory_space<vmem>> -> memref<1x24xi32, #tpu.memory_space<vmem>>
        %dma_start3A_895 = tpu.memref_squeeze %dma_start3A_894 : memref<1x24xi32, #tpu.memory_space<vmem>> -> memref<24xi32, #tpu.memory_space<vmem>>
        %dma_start3A_896 = arith.constant 0 : i32
        %dma_start3A_897 = arith.constant 0 : i32
        %dma_start3A_898 = tpu.memref_slice %arg2[%dma_start3A_896, %dma_start3A_897] : memref<32768x512xf32, #tpu.memory_space<hbm>> -> memref<32768x512xf32, #tpu.memory_space<hbm>>
        tpu.enqueue_indirect_dma source(%dma_start3A_898 : memref<32768x512xf32, #tpu.memory_space<hbm>>) target(%dma_start3A_892 : memref<24x512xf32, #tpu.memory_space<vmem>>) offsets(%dma_start3A_895 : memref<24xi32, #tpu.memory_space<vmem>>) semaphore(%arg8 : memref<!tpu.dma_semaphore, #tpu.memory_space<semaphore_mem>>)
        %dma_start3A_899 = arith.constant 3 : i32
        %dma_start3A_900 = arith.constant 0 : i32
        %dma_start3A_901 = arith.constant 1536 : i32
        %dma_start3A_902 = tpu.memref_slice %arg6[%dma_start3A_900, %dma_start3A_901] : memref<24x2560xf32, #tpu.memory_space<vmem>> -> memref<24x512xf32, #tpu.memory_space<vmem>>
        %dma_start3A_903 = arith.constant 0 : i32
        %dma_start3A_904 = tpu.memref_slice %arg4[%dma_start3A_899, %dma_start3A_903] : memref<5x24xi32, #tpu.memory_space<vmem>> -> memref<1x24xi32, #tpu.memory_space<vmem>>
        %dma_start3A_905 = tpu.memref_squeeze %dma_start3A_904 : memref<1x24xi32, #tpu.memory_space<vmem>> -> memref<24xi32, #tpu.memory_space<vmem>>
        %dma_start3A_906 = arith.constant 0 : i32
        %dma_start3A_907 = arith.constant 0 : i32
        %dma_start3A_908 = tpu.memref_slice %arg2[%dma_start3A_906, %dma_start3A_907] : memref<32768x512xf32, #tpu.memory_space<hbm>> -> memref<32768x512xf32, #tpu.memory_space<hbm>>
        tpu.enqueue_indirect_dma source(%dma_start3A_908 : memref<32768x512xf32, #tpu.memory_space<hbm>>) target(%dma_start3A_902 : memref<24x512xf32, #tpu.memory_space<vmem>>) offsets(%dma_start3A_905 : memref<24xi32, #tpu.memory_space<vmem>>) semaphore(%arg8 : memref<!tpu.dma_semaphore, #tpu.memory_space<semaphore_mem>>)
        %dma_start3A_909 = arith.constant 4 : i32
        %dma_start3A_910 = arith.constant 0 : i32
        %dma_start3A_911 = arith.constant 2048 : i32
        %dma_start3A_912 = tpu.memref_slice %arg6[%dma_start3A_910, %dma_start3A_911] : memref<24x2560xf32, #tpu.memory_space<vmem>> -> memref<24x512xf32, #tpu.memory_space<vmem>>
        %dma_start3A_913 = arith.constant 0 : i32
        %dma_start3A_914 = tpu.memref_slice %arg4[%dma_start3A_909, %dma_start3A_913] : memref<5x24xi32, #tpu.memory_space<vmem>> -> memref<1x24xi32, #tpu.memory_space<vmem>>
        %dma_start3A_915 = tpu.memref_squeeze %dma_start3A_914 : memref<1x24xi32, #tpu.memory_space<vmem>> -> memref<24xi32, #tpu.memory_space<vmem>>
        %dma_start3A_916 = arith.constant 0 : i32
        %dma_start3A_917 = arith.constant 0 : i32
        %dma_start3A_918 = tpu.memref_slice %arg2[%dma_start3A_916, %dma_start3A_917] : memref<32768x512xf32, #tpu.memory_space<hbm>> -> memref<32768x512xf32, #tpu.memory_space<hbm>>
        tpu.enqueue_indirect_dma source(%dma_start3A_918 : memref<32768x512xf32, #tpu.memory_space<hbm>>) target(%dma_start3A_912 : memref<24x512xf32, #tpu.memory_space<vmem>>) offsets(%dma_start3A_915 : memref<24xi32, #tpu.memory_space<vmem>>) semaphore(%arg8 : memref<!tpu.dma_semaphore, #tpu.memory_space<semaphore_mem>>)
      } else {
      }
      %dma_wait3A_603 = arith.constant 0 : i32
      %dma_wait3A_604 = arith.constant 0 : i32
      %dma_wait3A_605 = arith.constant 0 : i32
      %dma_wait3A_606 = tpu.memref_slice %arg7[%dma_wait3A_604, %dma_wait3A_605] : memref<24x2560xf32, #tpu.memory_space<vmem>> -> memref<24x512xf32, #tpu.memory_space<vmem>>
      %dma_wait3A_607 = arith.constant 0 : i32
      %dma_wait3A_608 = tpu.memref_slice %arg5[%dma_wait3A_603, %dma_wait3A_607] : memref<5x24xi32, #tpu.memory_space<vmem>> -> memref<1x24xi32, #tpu.memory_space<vmem>>
      %dma_wait3A_609 = tpu.memref_squeeze %dma_wait3A_608 : memref<1x24xi32, #tpu.memory_space<vmem>> -> memref<24xi32, #tpu.memory_space<vmem>>
      %dma_wait3A_610 = arith.constant 0 : i32
      %dma_wait3A_611 = arith.constant 0 : i32
      %dma_wait3A_612 = tpu.memref_slice %arg2[%dma_wait3A_610, %dma_wait3A_611] : memref<32768x512xf32, #tpu.memory_space<hbm>> -> memref<32768x512xf32, #tpu.memory_space<hbm>>
      tpu.wait_indirect_dma semaphore(%arg9 : memref<!tpu.dma_semaphore, #tpu.memory_space<semaphore_mem>>) src(%dma_wait3A_612 : memref<32768x512xf32, #tpu.memory_space<hbm>>) dst(%dma_wait3A_606 : memref<24x512xf32, #tpu.memory_space<vmem>>)
      %dma_wait3A_613 = arith.constant 1 : i32
      %dma_wait3A_614 = arith.constant 0 : i32
      %dma_wait3A_615 = arith.constant 512 : i32
      %dma_wait3A_616 = tpu.memref_slice %arg7[%dma_wait3A_614, %dma_wait3A_615] : memref<24x2560xf32, #tpu.memory_space<vmem>> -> memref<24x512xf32, #tpu.memory_space<vmem>>
      %dma_wait3A_617 = arith.constant 0 : i32
      %dma_wait3A_618 = tpu.memref_slice %arg5[%dma_wait3A_613, %dma_wait3A_617] : memref<5x24xi32, #tpu.memory_space<vmem>> -> memref<1x24xi32, #tpu.memory_space<vmem>>
      %dma_wait3A_619 = tpu.memref_squeeze %dma_wait3A_618 : memref<1x24xi32, #tpu.memory_space<vmem>> -> memref<24xi32, #tpu.memory_space<vmem>>
      %dma_wait3A_620 = arith.constant 0 : i32
      %dma_wait3A_621 = arith.constant 0 : i32
      %dma_wait3A_622 = tpu.memref_slice %arg2[%dma_wait3A_620, %dma_wait3A_621] : memref<32768x512xf32, #tpu.memory_space<hbm>> -> memref<32768x512xf32, #tpu.memory_space<hbm>>
      tpu.wait_indirect_dma semaphore(%arg9 : memref<!tpu.dma_semaphore, #tpu.memory_space<semaphore_mem>>) src(%dma_wait3A_622 : memref<32768x512xf32, #tpu.memory_space<hbm>>) dst(%dma_wait3A_616 : memref<24x512xf32, #tpu.memory_space<vmem>>)
      %dma_wait3A_623 = arith.constant 2 : i32
      %dma_wait3A_624 = arith.constant 0 : i32
      %dma_wait3A_625 = arith.constant 1024 : i32
      %dma_wait3A_626 = tpu.memref_slice %arg7[%dma_wait3A_624, %dma_wait3A_625] : memref<24x2560xf32, #tpu.memory_space<vmem>> -> memref<24x512xf32, #tpu.memory_space<vmem>>
      %dma_wait3A_627 = arith.constant 0 : i32
      %dma_wait3A_628 = tpu.memref_slice %arg5[%dma_wait3A_623, %dma_wait3A_627] : memref<5x24xi32, #tpu.memory_space<vmem>> -> memref<1x24xi32, #tpu.memory_space<vmem>>
      %dma_wait3A_629 = tpu.memref_squeeze %dma_wait3A_628 : memref<1x24xi32, #tpu.memory_space<vmem>> -> memref<24xi32, #tpu.memory_space<vmem>>
      %dma_wait3A_630 = arith.constant 0 : i32
      %dma_wait3A_631 = arith.constant 0 : i32
      %dma_wait3A_632 = tpu.memref_slice %arg2[%dma_wait3A_630, %dma_wait3A_631] : memref<32768x512xf32, #tpu.memory_space<hbm>> -> memref<32768x512xf32, #tpu.memory_space<hbm>>
      tpu.wait_indirect_dma semaphore(%arg9 : memref<!tpu.dma_semaphore, #tpu.memory_space<semaphore_mem>>) src(%dma_wait3A_632 : memref<32768x512xf32, #tpu.memory_space<hbm>>) dst(%dma_wait3A_626 : memref<24x512xf32, #tpu.memory_space<vmem>>)
      %dma_wait3A_633 = arith.constant 3 : i32
      %dma_wait3A_634 = arith.constant 0 : i32
      %dma_wait3A_635 = arith.constant 1536 : i32
      %dma_wait3A_636 = tpu.memref_slice %arg7[%dma_wait3A_634, %dma_wait3A_635] : memref<24x2560xf32, #tpu.memory_space<vmem>> -> memref<24x512xf32, #tpu.memory_space<vmem>>
      %dma_wait3A_637 = arith.constant 0 : i32
      %dma_wait3A_638 = tpu.memref_slice %arg5[%dma_wait3A_633, %dma_wait3A_637] : memref<5x24xi32, #tpu.memory_space<vmem>> -> memref<1x24xi32, #tpu.memory_space<vmem>>
      %dma_wait3A_639 = tpu.memref_squeeze %dma_wait3A_638 : memref<1x24xi32, #tpu.memory_space<vmem>> -> memref<24xi32, #tpu.memory_space<vmem>>
      %dma_wait3A_640 = arith.constant 0 : i32
      %dma_wait3A_641 = arith.constant 0 : i32
      %dma_wait3A_642 = tpu.memref_slice %arg2[%dma_wait3A_640, %dma_wait3A_641] : memref<32768x512xf32, #tpu.memory_space<hbm>> -> memref<32768x512xf32, #tpu.memory_space<hbm>>
      tpu.wait_indirect_dma semaphore(%arg9 : memref<!tpu.dma_semaphore, #tpu.memory_space<semaphore_mem>>) src(%dma_wait3A_642 : memref<32768x512xf32, #tpu.memory_space<hbm>>) dst(%dma_wait3A_636 : memref<24x512xf32, #tpu.memory_space<vmem>>)
      %dma_wait3A_643 = arith.constant 4 : i32
      %dma_wait3A_644 = arith.constant 0 : i32
      %dma_wait3A_645 = arith.constant 2048 : i32
      %dma_wait3A_646 = tpu.memref_slice %arg7[%dma_wait3A_644, %dma_wait3A_645] : memref<24x2560xf32, #tpu.memory_space<vmem>> -> memref<24x512xf32, #tpu.memory_space<vmem>>
      %dma_wait3A_647 = arith.constant 0 : i32
      %dma_wait3A_648 = tpu.memref_slice %arg5[%dma_wait3A_643, %dma_wait3A_647] : memref<5x24xi32, #tpu.memory_space<vmem>> -> memref<1x24xi32, #tpu.memory_space<vmem>>
      %dma_wait3A_649 = tpu.memref_squeeze %dma_wait3A_648 : memref<1x24xi32, #tpu.memory_space<vmem>> -> memref<24xi32, #tpu.memory_space<vmem>>
      %dma_wait3A_650 = arith.constant 0 : i32
      %dma_wait3A_651 = arith.constant 0 : i32
      %dma_wait3A_652 = tpu.memref_slice %arg2[%dma_wait3A_650, %dma_wait3A_651] : memref<32768x512xf32, #tpu.memory_space<hbm>> -> memref<32768x512xf32, #tpu.memory_space<hbm>>
      tpu.wait_indirect_dma semaphore(%arg9 : memref<!tpu.dma_semaphore, #tpu.memory_space<semaphore_mem>>) src(%dma_wait3A_652 : memref<32768x512xf32, #tpu.memory_space<hbm>>) dst(%dma_wait3A_646 : memref<24x512xf32, #tpu.memory_space<vmem>>)
      %mul3A_653 = arith.constant 2 : i32
      %mul3A_654 = arith.muli %mul3A_653, %add3A_289 : i32
      %add3A_655 = arith.constant 1 : i32
      %add3A_656 = arith.addi %mul3A_654, %add3A_655 : i32
      %mul3A_657 = arith.constant 32 : i32
      %mul3A_658 = arith.muli %add3A_656, %mul3A_657 : i32
      %add3A_659 = arith.addi %add3A, %mul3A_658 : i32
      %mul3A_660 = arith.constant 3 : i32
      %mul3A_661 = arith.muli %add3A_659, %mul3A_660 : i32
      %dma_start3A_662 = tpu.memref_reshape %arg7 : memref<24x2560xf32, #tpu.memory_space<vmem>> -> memref<3x8x2560xf32, #tpu.memory_space<vmem>>
      %dma_start3A_663 = arith.constant 0 : i32
      %dma_start3A_664 = arith.constant 0 : i32
      %dma_start3A_665 = tpu.memref_slice %arg3[%mul3A_661, %dma_start3A_663, %dma_start3A_664] : memref<1365x8x2560xf32, #tpu.memory_space<hbm>> -> memref<3x8x2560xf32, #tpu.memory_space<hbm>>
      %dma_start3A_666 = arith.constant 0 : i32
      %dma_start3A_667 = arith.constant 0 : i32
      %dma_start3A_668 = tpu.memref_slice %arg3[%mul3A_661, %dma_start3A_666, %dma_start3A_667] : memref<1365x8x2560xf32, #tpu.memory_space<hbm>> -> memref<3x8x2560xf32, #tpu.memory_space<hbm>>
      %dma_start3A_669 = tpu.memref_reshape %arg7 : memref<24x2560xf32, #tpu.memory_space<vmem>> -> memref<3x8x2560xf32, #tpu.memory_space<vmem>>
      tpu.enqueue_dma source(%dma_start3A_669 : memref<3x8x2560xf32, #tpu.memory_space<vmem>>) target(%dma_start3A_668 : memref<3x8x2560xf32, #tpu.memory_space<hbm>>) target_semaphore(%arg11 : memref<!tpu.dma_semaphore, #tpu.memory_space<semaphore_mem>>)
    }
    %scan3A_263 = arith.constant 7 : i32
    %dma_wait3A = tpu.memref_reshape %arg7 : memref<24x2560xf32, #tpu.memory_space<vmem>> -> memref<3x8x2560xf32, #tpu.memory_space<vmem>>
    %dma_wait3A_264 = arith.constant 0 : i32
    %dma_wait3A_265 = arith.constant 0 : i32
    %dma_wait3A_266 = arith.constant 0 : i32
    %dma_wait3A_267 = tpu.memref_slice %arg3[%dma_wait3A_264, %dma_wait3A_265, %dma_wait3A_266] : memref<1365x8x2560xf32, #tpu.memory_space<hbm>> -> memref<3x8x2560xf32, #tpu.memory_space<hbm>>
    %dma_wait3A_268 = arith.constant 0 : i32
    %dma_wait3A_269 = arith.constant 0 : i32
    %dma_wait3A_270 = arith.constant 0 : i32
    %dma_wait3A_271 = tpu.memref_slice %arg3[%dma_wait3A_268, %dma_wait3A_269, %dma_wait3A_270] : memref<1365x8x2560xf32, #tpu.memory_space<hbm>> -> memref<3x8x2560xf32, #tpu.memory_space<hbm>>
    %dma_wait3A_272 = tpu.memref_reshape %arg7 : memref<24x2560xf32, #tpu.memory_space<vmem>> -> memref<3x8x2560xf32, #tpu.memory_space<vmem>>
    tpu.wait_dma2 semaphore(%arg11 : memref<!tpu.dma_semaphore, #tpu.memory_space<semaphore_mem>>) src(%dma_wait3A_272 : memref<3x8x2560xf32, #tpu.memory_space<vmem>>) dst(%dma_wait3A_271 : memref<3x8x2560xf32, #tpu.memory_space<hbm>>)
    %dma_wait3A_273 = tpu.memref_reshape %arg6 : memref<24x2560xf32, #tpu.memory_space<vmem>> -> memref<3x8x2560xf32, #tpu.memory_space<vmem>>
    %dma_wait3A_274 = arith.constant 0 : i32
    %dma_wait3A_275 = arith.constant 0 : i32
    %dma_wait3A_276 = arith.constant 0 : i32
    %dma_wait3A_277 = tpu.memref_slice %arg3[%dma_wait3A_274, %dma_wait3A_275, %dma_wait3A_276] : memref<1365x8x2560xf32, #tpu.memory_space<hbm>> -> memref<3x8x2560xf32, #tpu.memory_space<hbm>>
    %dma_wait3A_278 = arith.constant 0 : i32
    %dma_wait3A_279 = arith.constant 0 : i32
    %dma_wait3A_280 = arith.constant 0 : i32
    %dma_wait3A_281 = tpu.memref_slice %arg3[%dma_wait3A_278, %dma_wait3A_279, %dma_wait3A_280] : memref<1365x8x2560xf32, #tpu.memory_space<hbm>> -> memref<3x8x2560xf32, #tpu.memory_space<hbm>>
    %dma_wait3A_282 = tpu.memref_reshape %arg6 : memref<24x2560xf32, #tpu.memory_space<vmem>> -> memref<3x8x2560xf32, #tpu.memory_space<vmem>>
    tpu.wait_dma2 semaphore(%arg10 : memref<!tpu.dma_semaphore, #tpu.memory_space<semaphore_mem>>) src(%dma_wait3A_282 : memref<3x8x2560xf32, #tpu.memory_space<vmem>>) dst(%dma_wait3A_281 : memref<3x8x2560xf32, #tpu.memory_space<hbm>>)
    %lt3A = arith.constant 21 : i32
    %lt3A_283 = arith.cmpi slt, %add3A, %lt3A : i32
    %convert_element_type3A = arith.extui %lt3A_283 : i1 to i32
    %cond3A = arith.constant 0 : i32
    %cond3A_284 = arith.cmpi ne, %convert_element_type3A, %cond3A : i32
    scf.if %cond3A_284 {
      %add3A_285 = arith.constant 1344 : i32
      %add3A_286 = arith.addi %add3A_285, %add3A : i32
      %mul3A_287 = arith.constant 4096 : i32
      %mul3A_288 = vector.broadcast %mul3A_287 : i32 to vector<16xi32>
      %mul3A_289 = arith.muli %iota3A, %mul3A_288 : vector<16xi32>
      %mul3A_290 = arith.constant 3 : i32
      %mul3A_291 = arith.muli %mul3A_290, %add3A_286 : i32
      %add3A_292 = arith.constant -2 : i32
      %add3A_293 = arith.addi %mul3A_291, %add3A_292 : i32
      %jit3A_294 = arith.constant 0 : i32
      %jit3A_295 = arith.constant 4094 : i32
      %max3A_296 = arith.maxsi %jit3A_294, %add3A_293 : i32
      %min3A_297 = arith.minsi %jit3A_295, %max3A_296 : i32
      %add3A_298 = vector.broadcast %min3A_297 : i32 to vector<16xi32>
      %add3A_299 = arith.addi %mul3A_289, %add3A_298 : vector<16xi32>
      %swap3A_300 = arith.constant 0 : i32
      %swap3A_301 = arith.index_cast %swap3A_300 : i32 to index
      %swap3A_302 = arith.constant 0 : index
      %swap3A_303 = tpu.vector_load %arg4[%swap3A_301, %swap3A_302] {strides = array<i32>} : memref<5x24xi32, #tpu.memory_space<vmem>>, vector<1x16xi32>,
      %swap3A_304 = vector.shape_cast %swap3A_303 : vector<1x16xi32> to vector<16xi32>
      %swap3A_305 = vector.shape_cast %add3A_299 : vector<16xi32> to vector<1x16xi32>
      tpu.vector_store %arg4[%swap3A_301, %swap3A_302], %swap3A_305 {strides = array<i32>} : memref<5x24xi32, #tpu.memory_space<vmem>>, vector<1x16xi32>,
      %mul3A_306 = arith.constant 4096 : i32
      %mul3A_307 = vector.broadcast %mul3A_306 : i32 to vector<16xi32>
      %mul3A_308 = arith.muli %iota3A, %mul3A_307 : vector<16xi32>
      %mul3A_309 = arith.constant 3 : i32
      %mul3A_310 = arith.muli %mul3A_309, %add3A_286 : i32
      %add3A_311 = arith.constant -1 : i32
      %add3A_312 = arith.addi %mul3A_310, %add3A_311 : i32
      %jit3A_313 = arith.constant 0 : i32
      %jit3A_314 = arith.constant 4094 : i32
      %max3A_315 = arith.maxsi %jit3A_313, %add3A_312 : i32
      %min3A_316 = arith.minsi %jit3A_314, %max3A_315 : i32
      %add3A_317 = vector.broadcast %min3A_316 : i32 to vector<16xi32>
      %add3A_318 = arith.addi %mul3A_308, %add3A_317 : vector<16xi32>
      %swap3A_319 = arith.constant 1 : i32
      %swap3A_320 = arith.index_cast %swap3A_319 : i32 to index
      %swap3A_321 = arith.constant 0 : index
      %swap3A_322 = tpu.vector_load %arg4[%swap3A_320, %swap3A_321] {strides = array<i32>} : memref<5x24xi32, #tpu.memory_space<vmem>>, vector<1x16xi32>,
      %swap3A_323 = vector.shape_cast %swap3A_322 : vector<1x16xi32> to vector<16xi32>
      %swap3A_324 = vector.shape_cast %add3A_318 : vector<16xi32> to vector<1x16xi32>
      tpu.vector_store %arg4[%swap3A_320, %swap3A_321], %swap3A_324 {strides = array<i32>} : memref<5x24xi32, #tpu.memory_space<vmem>>, vector<1x16xi32>,
      %mul3A_325 = arith.constant 4096 : i32
      %mul3A_326 = vector.broadcast %mul3A_325 : i32 to vector<16xi32>
      %mul3A_327 = arith.muli %iota3A, %mul3A_326 : vector<16xi32>
      %mul3A_328 = arith.constant 3 : i32
      %mul3A_329 = arith.muli %mul3A_328, %add3A_286 : i32
      %add3A_330 = arith.constant 0 : i32
      %add3A_331 = arith.addi %mul3A_329, %add3A_330 : i32
      %jit3A_332 = arith.constant 0 : i32
      %jit3A_333 = arith.constant 4094 : i32
      %max3A_334 = arith.maxsi %jit3A_332, %add3A_331 : i32
      %min3A_335 = arith.minsi %jit3A_333, %max3A_334 : i32
      %add3A_336 = vector.broadcast %min3A_335 : i32 to vector<16xi32>
      %add3A_337 = arith.addi %mul3A_327, %add3A_336 : vector<16xi32>
      %swap3A_338 = arith.constant 2 : i32
      %swap3A_339 = arith.index_cast %swap3A_338 : i32 to index
      %swap3A_340 = arith.constant 0 : index
      %swap3A_341 = tpu.vector_load %arg4[%swap3A_339, %swap3A_340] {strides = array<i32>} : memref<5x24xi32, #tpu.memory_space<vmem>>, vector<1x16xi32>,
      %swap3A_342 = vector.shape_cast %swap3A_341 : vector<1x16xi32> to vector<16xi32>
      %swap3A_343 = vector.shape_cast %add3A_337 : vector<16xi32> to vector<1x16xi32>
      tpu.vector_store %arg4[%swap3A_339, %swap3A_340], %swap3A_343 {strides = array<i32>} : memref<5x24xi32, #tpu.memory_space<vmem>>, vector<1x16xi32>,
      %mul3A_344 = arith.constant 4096 : i32
      %mul3A_345 = vector.broadcast %mul3A_344 : i32 to vector<16xi32>
      %mul3A_346 = arith.muli %iota3A, %mul3A_345 : vector<16xi32>
      %mul3A_347 = arith.constant 3 : i32
      %mul3A_348 = arith.muli %mul3A_347, %add3A_286 : i32
      %add3A_349 = arith.constant 1 : i32
      %add3A_350 = arith.addi %mul3A_348, %add3A_349 : i32
      %jit3A_351 = arith.constant 0 : i32
      %jit3A_352 = arith.constant 4094 : i32
      %max3A_353 = arith.maxsi %jit3A_351, %add3A_350 : i32
      %min3A_354 = arith.minsi %jit3A_352, %max3A_353 : i32
      %add3A_355 = vector.broadcast %min3A_354 : i32 to vector<16xi32>
      %add3A_356 = arith.addi %mul3A_346, %add3A_355 : vector<16xi32>
      %swap3A_357 = arith.constant 3 : i32
      %swap3A_358 = arith.index_cast %swap3A_357 : i32 to index
      %swap3A_359 = arith.constant 0 : index
      %swap3A_360 = tpu.vector_load %arg4[%swap3A_358, %swap3A_359] {strides = array<i32>} : memref<5x24xi32, #tpu.memory_space<vmem>>, vector<1x16xi32>,
      %swap3A_361 = vector.shape_cast %swap3A_360 : vector<1x16xi32> to vector<16xi32>
      %swap3A_362 = vector.shape_cast %add3A_356 : vector<16xi32> to vector<1x16xi32>
      tpu.vector_store %arg4[%swap3A_358, %swap3A_359], %swap3A_362 {strides = array<i32>} : memref<5x24xi32, #tpu.memory_space<vmem>>, vector<1x16xi32>,
      %mul3A_363 = arith.constant 4096 : i32
      %mul3A_364 = vector.broadcast %mul3A_363 : i32 to vector<16xi32>
      %mul3A_365 = arith.muli %iota3A, %mul3A_364 : vector<16xi32>
      %mul3A_366 = arith.constant 3 : i32
      %mul3A_367 = arith.muli %mul3A_366, %add3A_286 : i32
      %add3A_368 = arith.constant 2 : i32
      %add3A_369 = arith.addi %mul3A_367, %add3A_368 : i32
      %jit3A_370 = arith.constant 0 : i32
      %jit3A_371 = arith.constant 4094 : i32
      %max3A_372 = arith.maxsi %jit3A_370, %add3A_369 : i32
      %min3A_373 = arith.minsi %jit3A_371, %max3A_372 : i32
      %add3A_374 = vector.broadcast %min3A_373 : i32 to vector<16xi32>
      %add3A_375 = arith.addi %mul3A_365, %add3A_374 : vector<16xi32>
      %swap3A_376 = arith.constant 4 : i32
      %swap3A_377 = arith.index_cast %swap3A_376 : i32 to index
      %swap3A_378 = arith.constant 0 : index
      %swap3A_379 = tpu.vector_load %arg4[%swap3A_377, %swap3A_378] {strides = array<i32>} : memref<5x24xi32, #tpu.memory_space<vmem>>, vector<1x16xi32>,
      %swap3A_380 = vector.shape_cast %swap3A_379 : vector<1x16xi32> to vector<16xi32>
      %swap3A_381 = vector.shape_cast %add3A_375 : vector<16xi32> to vector<1x16xi32>
      tpu.vector_store %arg4[%swap3A_377, %swap3A_378], %swap3A_381 {strides = array<i32>} : memref<5x24xi32, #tpu.memory_space<vmem>>, vector<1x16xi32>,
      %dma_start3A_382 = arith.constant 0 : i32
      %dma_start3A_383 = arith.constant 0 : i32
      %dma_start3A_384 = arith.constant 0 : i32
      %dma_start3A_385 = tpu.memref_slice %arg6[%dma_start3A_383, %dma_start3A_384] : memref<24x2560xf32, #tpu.memory_space<vmem>> -> memref<8x512xf32, #tpu.memory_space<vmem>>
      %dma_start3A_386 = arith.constant 0 : i32
      %dma_start3A_387 = tpu.memref_slice %arg4[%dma_start3A_382, %dma_start3A_386] : memref<5x24xi32, #tpu.memory_space<vmem>> -> memref<1x8xi32, #tpu.memory_space<vmem>>
      %dma_start3A_388 = tpu.memref_squeeze %dma_start3A_387 : memref<1x8xi32, #tpu.memory_space<vmem>> -> memref<8xi32, #tpu.memory_space<vmem>>
      %dma_start3A_389 = arith.constant 0 : i32
      %dma_start3A_390 = arith.constant 0 : i32
      %dma_start3A_391 = tpu.memref_slice %arg2[%dma_start3A_389, %dma_start3A_390] : memref<32768x512xf32, #tpu.memory_space<hbm>> -> memref<32768x512xf32, #tpu.memory_space<hbm>>
      tpu.enqueue_indirect_dma source(%dma_start3A_391 : memref<32768x512xf32, #tpu.memory_space<hbm>>) target(%dma_start3A_385 : memref<8x512xf32, #tpu.memory_space<vmem>>) offsets(%dma_start3A_388 : memref<8xi32, #tpu.memory_space<vmem>>) semaphore(%arg8 : memref<!tpu.dma_semaphore, #tpu.memory_space<semaphore_mem>>)
      %dma_start3A_392 = arith.constant 1 : i32
      %dma_start3A_393 = arith.constant 0 : i32
      %dma_start3A_394 = arith.constant 512 : i32
      %dma_start3A_395 = tpu.memref_slice %arg6[%dma_start3A_393, %dma_start3A_394] : memref<24x2560xf32, #tpu.memory_space<vmem>> -> memref<8x512xf32, #tpu.memory_space<vmem>>
      %dma_start3A_396 = arith.constant 0 : i32
      %dma_start3A_397 = tpu.memref_slice %arg4[%dma_start3A_392, %dma_start3A_396] : memref<5x24xi32, #tpu.memory_space<vmem>> -> memref<1x8xi32, #tpu.memory_space<vmem>>
      %dma_start3A_398 = tpu.memref_squeeze %dma_start3A_397 : memref<1x8xi32, #tpu.memory_space<vmem>> -> memref<8xi32, #tpu.memory_space<vmem>>
      %dma_start3A_399 = arith.constant 0 : i32
      %dma_start3A_400 = arith.constant 0 : i32
      %dma_start3A_401 = tpu.memref_slice %arg2[%dma_start3A_399, %dma_start3A_400] : memref<32768x512xf32, #tpu.memory_space<hbm>> -> memref<32768x512xf32, #tpu.memory_space<hbm>>
      tpu.enqueue_indirect_dma source(%dma_start3A_401 : memref<32768x512xf32, #tpu.memory_space<hbm>>) target(%dma_start3A_395 : memref<8x512xf32, #tpu.memory_space<vmem>>) offsets(%dma_start3A_398 : memref<8xi32, #tpu.memory_space<vmem>>) semaphore(%arg8 : memref<!tpu.dma_semaphore, #tpu.memory_space<semaphore_mem>>)
      %dma_start3A_402 = arith.constant 2 : i32
      %dma_start3A_403 = arith.constant 0 : i32
      %dma_start3A_404 = arith.constant 1024 : i32
      %dma_start3A_405 = tpu.memref_slice %arg6[%dma_start3A_403, %dma_start3A_404] : memref<24x2560xf32, #tpu.memory_space<vmem>> -> memref<8x512xf32, #tpu.memory_space<vmem>>
      %dma_start3A_406 = arith.constant 0 : i32
      %dma_start3A_407 = tpu.memref_slice %arg4[%dma_start3A_402, %dma_start3A_406] : memref<5x24xi32, #tpu.memory_space<vmem>> -> memref<1x8xi32, #tpu.memory_space<vmem>>
      %dma_start3A_408 = tpu.memref_squeeze %dma_start3A_407 : memref<1x8xi32, #tpu.memory_space<vmem>> -> memref<8xi32, #tpu.memory_space<vmem>>
      %dma_start3A_409 = arith.constant 0 : i32
      %dma_start3A_410 = arith.constant 0 : i32
      %dma_start3A_411 = tpu.memref_slice %arg2[%dma_start3A_409, %dma_start3A_410] : memref<32768x512xf32, #tpu.memory_space<hbm>> -> memref<32768x512xf32, #tpu.memory_space<hbm>>
      tpu.enqueue_indirect_dma source(%dma_start3A_411 : memref<32768x512xf32, #tpu.memory_space<hbm>>) target(%dma_start3A_405 : memref<8x512xf32, #tpu.memory_space<vmem>>) offsets(%dma_start3A_408 : memref<8xi32, #tpu.memory_space<vmem>>) semaphore(%arg8 : memref<!tpu.dma_semaphore, #tpu.memory_space<semaphore_mem>>)
      %dma_start3A_412 = arith.constant 3 : i32
      %dma_start3A_413 = arith.constant 0 : i32
      %dma_start3A_414 = arith.constant 1536 : i32
      %dma_start3A_415 = tpu.memref_slice %arg6[%dma_start3A_413, %dma_start3A_414] : memref<24x2560xf32, #tpu.memory_space<vmem>> -> memref<8x512xf32, #tpu.memory_space<vmem>>
      %dma_start3A_416 = arith.constant 0 : i32
      %dma_start3A_417 = tpu.memref_slice %arg4[%dma_start3A_412, %dma_start3A_416] : memref<5x24xi32, #tpu.memory_space<vmem>> -> memref<1x8xi32, #tpu.memory_space<vmem>>
      %dma_start3A_418 = tpu.memref_squeeze %dma_start3A_417 : memref<1x8xi32, #tpu.memory_space<vmem>> -> memref<8xi32, #tpu.memory_space<vmem>>
      %dma_start3A_419 = arith.constant 0 : i32
      %dma_start3A_420 = arith.constant 0 : i32
      %dma_start3A_421 = tpu.memref_slice %arg2[%dma_start3A_419, %dma_start3A_420] : memref<32768x512xf32, #tpu.memory_space<hbm>> -> memref<32768x512xf32, #tpu.memory_space<hbm>>
      tpu.enqueue_indirect_dma source(%dma_start3A_421 : memref<32768x512xf32, #tpu.memory_space<hbm>>) target(%dma_start3A_415 : memref<8x512xf32, #tpu.memory_space<vmem>>) offsets(%dma_start3A_418 : memref<8xi32, #tpu.memory_space<vmem>>) semaphore(%arg8 : memref<!tpu.dma_semaphore, #tpu.memory_space<semaphore_mem>>)
      %dma_start3A_422 = arith.constant 4 : i32
      %dma_start3A_423 = arith.constant 0 : i32
      %dma_start3A_424 = arith.constant 2048 : i32
      %dma_start3A_425 = tpu.memref_slice %arg6[%dma_start3A_423, %dma_start3A_424] : memref<24x2560xf32, #tpu.memory_space<vmem>> -> memref<8x512xf32, #tpu.memory_space<vmem>>
      %dma_start3A_426 = arith.constant 0 : i32
      %dma_start3A_427 = tpu.memref_slice %arg4[%dma_start3A_422, %dma_start3A_426] : memref<5x24xi32, #tpu.memory_space<vmem>> -> memref<1x8xi32, #tpu.memory_space<vmem>>
      %dma_start3A_428 = tpu.memref_squeeze %dma_start3A_427 : memref<1x8xi32, #tpu.memory_space<vmem>> -> memref<8xi32, #tpu.memory_space<vmem>>
      %dma_start3A_429 = arith.constant 0 : i32
      %dma_start3A_430 = arith.constant 0 : i32
      %dma_start3A_431 = tpu.memref_slice %arg2[%dma_start3A_429, %dma_start3A_430] : memref<32768x512xf32, #tpu.memory_space<hbm>> -> memref<32768x512xf32, #tpu.memory_space<hbm>>
      tpu.enqueue_indirect_dma source(%dma_start3A_431 : memref<32768x512xf32, #tpu.memory_space<hbm>>) target(%dma_start3A_425 : memref<8x512xf32, #tpu.memory_space<vmem>>) offsets(%dma_start3A_428 : memref<8xi32, #tpu.memory_space<vmem>>) semaphore(%arg8 : memref<!tpu.dma_semaphore, #tpu.memory_space<semaphore_mem>>)
      %dma_wait3A_432 = arith.constant 0 : i32
      %dma_wait3A_433 = arith.constant 0 : i32
      %dma_wait3A_434 = arith.constant 0 : i32
      %dma_wait3A_435 = tpu.memref_slice %arg6[%dma_wait3A_433, %dma_wait3A_434] : memref<24x2560xf32, #tpu.memory_space<vmem>> -> memref<8x512xf32, #tpu.memory_space<vmem>>
      %dma_wait3A_436 = arith.constant 0 : i32
      %dma_wait3A_437 = tpu.memref_slice %arg4[%dma_wait3A_432, %dma_wait3A_436] : memref<5x24xi32, #tpu.memory_space<vmem>> -> memref<1x8xi32, #tpu.memory_space<vmem>>
      %dma_wait3A_438 = tpu.memref_squeeze %dma_wait3A_437 : memref<1x8xi32, #tpu.memory_space<vmem>> -> memref<8xi32, #tpu.memory_space<vmem>>
      %dma_wait3A_439 = arith.constant 0 : i32
      %dma_wait3A_440 = arith.constant 0 : i32
      %dma_wait3A_441 = tpu.memref_slice %arg2[%dma_wait3A_439, %dma_wait3A_440] : memref<32768x512xf32, #tpu.memory_space<hbm>> -> memref<32768x512xf32, #tpu.memory_space<hbm>>
      tpu.wait_indirect_dma semaphore(%arg8 : memref<!tpu.dma_semaphore, #tpu.memory_space<semaphore_mem>>) src(%dma_wait3A_441 : memref<32768x512xf32, #tpu.memory_space<hbm>>) dst(%dma_wait3A_435 : memref<8x512xf32, #tpu.memory_space<vmem>>)
      %dma_wait3A_442 = arith.constant 1 : i32
      %dma_wait3A_443 = arith.constant 0 : i32
      %dma_wait3A_444 = arith.constant 512 : i32
      %dma_wait3A_445 = tpu.memref_slice %arg6[%dma_wait3A_443, %dma_wait3A_444] : memref<24x2560xf32, #tpu.memory_space<vmem>> -> memref<8x512xf32, #tpu.memory_space<vmem>>
      %dma_wait3A_446 = arith.constant 0 : i32
      %dma_wait3A_447 = tpu.memref_slice %arg4[%dma_wait3A_442, %dma_wait3A_446] : memref<5x24xi32, #tpu.memory_space<vmem>> -> memref<1x8xi32, #tpu.memory_space<vmem>>
      %dma_wait3A_448 = tpu.memref_squeeze %dma_wait3A_447 : memref<1x8xi32, #tpu.memory_space<vmem>> -> memref<8xi32, #tpu.memory_space<vmem>>
      %dma_wait3A_449 = arith.constant 0 : i32
      %dma_wait3A_450 = arith.constant 0 : i32
      %dma_wait3A_451 = tpu.memref_slice %arg2[%dma_wait3A_449, %dma_wait3A_450] : memref<32768x512xf32, #tpu.memory_space<hbm>> -> memref<32768x512xf32, #tpu.memory_space<hbm>>
      tpu.wait_indirect_dma semaphore(%arg8 : memref<!tpu.dma_semaphore, #tpu.memory_space<semaphore_mem>>) src(%dma_wait3A_451 : memref<32768x512xf32, #tpu.memory_space<hbm>>) dst(%dma_wait3A_445 : memref<8x512xf32, #tpu.memory_space<vmem>>)
      %dma_wait3A_452 = arith.constant 2 : i32
      %dma_wait3A_453 = arith.constant 0 : i32
      %dma_wait3A_454 = arith.constant 1024 : i32
      %dma_wait3A_455 = tpu.memref_slice %arg6[%dma_wait3A_453, %dma_wait3A_454] : memref<24x2560xf32, #tpu.memory_space<vmem>> -> memref<8x512xf32, #tpu.memory_space<vmem>>
      %dma_wait3A_456 = arith.constant 0 : i32
      %dma_wait3A_457 = tpu.memref_slice %arg4[%dma_wait3A_452, %dma_wait3A_456] : memref<5x24xi32, #tpu.memory_space<vmem>> -> memref<1x8xi32, #tpu.memory_space<vmem>>
      %dma_wait3A_458 = tpu.memref_squeeze %dma_wait3A_457 : memref<1x8xi32, #tpu.memory_space<vmem>> -> memref<8xi32, #tpu.memory_space<vmem>>
      %dma_wait3A_459 = arith.constant 0 : i32
      %dma_wait3A_460 = arith.constant 0 : i32
      %dma_wait3A_461 = tpu.memref_slice %arg2[%dma_wait3A_459, %dma_wait3A_460] : memref<32768x512xf32, #tpu.memory_space<hbm>> -> memref<32768x512xf32, #tpu.memory_space<hbm>>
      tpu.wait_indirect_dma semaphore(%arg8 : memref<!tpu.dma_semaphore, #tpu.memory_space<semaphore_mem>>) src(%dma_wait3A_461 : memref<32768x512xf32, #tpu.memory_space<hbm>>) dst(%dma_wait3A_455 : memref<8x512xf32, #tpu.memory_space<vmem>>)
      %dma_wait3A_462 = arith.constant 3 : i32
      %dma_wait3A_463 = arith.constant 0 : i32
      %dma_wait3A_464 = arith.constant 1536 : i32
      %dma_wait3A_465 = tpu.memref_slice %arg6[%dma_wait3A_463, %dma_wait3A_464] : memref<24x2560xf32, #tpu.memory_space<vmem>> -> memref<8x512xf32, #tpu.memory_space<vmem>>
      %dma_wait3A_466 = arith.constant 0 : i32
      %dma_wait3A_467 = tpu.memref_slice %arg4[%dma_wait3A_462, %dma_wait3A_466] : memref<5x24xi32, #tpu.memory_space<vmem>> -> memref<1x8xi32, #tpu.memory_space<vmem>>
      %dma_wait3A_468 = tpu.memref_squeeze %dma_wait3A_467 : memref<1x8xi32, #tpu.memory_space<vmem>> -> memref<8xi32, #tpu.memory_space<vmem>>
      %dma_wait3A_469 = arith.constant 0 : i32
      %dma_wait3A_470 = arith.constant 0 : i32
      %dma_wait3A_471 = tpu.memref_slice %arg2[%dma_wait3A_469, %dma_wait3A_470] : memref<32768x512xf32, #tpu.memory_space<hbm>> -> memref<32768x512xf32, #tpu.memory_space<hbm>>
      tpu.wait_indirect_dma semaphore(%arg8 : memref<!tpu.dma_semaphore, #tpu.memory_space<semaphore_mem>>) src(%dma_wait3A_471 : memref<32768x512xf32, #tpu.memory_space<hbm>>) dst(%dma_wait3A_465 : memref<8x512xf32, #tpu.memory_space<vmem>>)
      %dma_wait3A_472 = arith.constant 4 : i32
      %dma_wait3A_473 = arith.constant 0 : i32
      %dma_wait3A_474 = arith.constant 2048 : i32
      %dma_wait3A_475 = tpu.memref_slice %arg6[%dma_wait3A_473, %dma_wait3A_474] : memref<24x2560xf32, #tpu.memory_space<vmem>> -> memref<8x512xf32, #tpu.memory_space<vmem>>
      %dma_wait3A_476 = arith.constant 0 : i32
      %dma_wait3A_477 = tpu.memref_slice %arg4[%dma_wait3A_472, %dma_wait3A_476] : memref<5x24xi32, #tpu.memory_space<vmem>> -> memref<1x8xi32, #tpu.memory_space<vmem>>
      %dma_wait3A_478 = tpu.memref_squeeze %dma_wait3A_477 : memref<1x8xi32, #tpu.memory_space<vmem>> -> memref<8xi32, #tpu.memory_space<vmem>>
      %dma_wait3A_479 = arith.constant 0 : i32
      %dma_wait3A_480 = arith.constant 0 : i32
      %dma_wait3A_481 = tpu.memref_slice %arg2[%dma_wait3A_479, %dma_wait3A_480] : memref<32768x512xf32, #tpu.memory_space<hbm>> -> memref<32768x512xf32, #tpu.memory_space<hbm>>
      tpu.wait_indirect_dma semaphore(%arg8 : memref<!tpu.dma_semaphore, #tpu.memory_space<semaphore_mem>>) src(%dma_wait3A_481 : memref<32768x512xf32, #tpu.memory_space<hbm>>) dst(%dma_wait3A_475 : memref<8x512xf32, #tpu.memory_space<vmem>>)
      %dma_start3A_482 = arith.constant 0 : i32
      %dma_start3A_483 = arith.constant 0 : i32
      %dma_start3A_484 = tpu.memref_slice %arg6[%dma_start3A_482, %dma_start3A_483] : memref<24x2560xf32, #tpu.memory_space<vmem>> -> memref<8x2560xf32, #tpu.memory_space<vmem>>
      %dma_start3A_485 = arith.constant 0 : i32
      %dma_start3A_486 = arith.constant 0 : i32
      %dma_start3A_487 = tpu.memref_slice %arg3[%add3A_286, %dma_start3A_485, %dma_start3A_486] : memref<1365x8x2560xf32, #tpu.memory_space<hbm>> -> memref<1x8x2560xf32, #tpu.memory_space<hbm>>
      %dma_start3A_488 = tpu.memref_squeeze %dma_start3A_487 : memref<1x8x2560xf32, #tpu.memory_space<hbm>> -> memref<8x2560xf32, #tpu.memory_space<hbm>>
      %dma_start3A_489 = arith.constant 0 : i32
      %dma_start3A_490 = arith.constant 0 : i32
      %dma_start3A_491 = tpu.memref_slice %arg3[%add3A_286, %dma_start3A_489, %dma_start3A_490] : memref<1365x8x2560xf32, #tpu.memory_space<hbm>> -> memref<1x8x2560xf32, #tpu.memory_space<hbm>>
      %dma_start3A_492 = tpu.memref_squeeze %dma_start3A_491 : memref<1x8x2560xf32, #tpu.memory_space<hbm>> -> memref<8x2560xf32, #tpu.memory_space<hbm>>
      %dma_start3A_493 = arith.constant 0 : i32
      %dma_start3A_494 = arith.constant 0 : i32
      %dma_start3A_495 = tpu.memref_slice %arg6[%dma_start3A_493, %dma_start3A_494] : memref<24x2560xf32, #tpu.memory_space<vmem>> -> memref<8x2560xf32, #tpu.memory_space<vmem>>
      tpu.enqueue_dma source(%dma_start3A_495 : memref<8x2560xf32, #tpu.memory_space<vmem>>) target(%dma_start3A_492 : memref<8x2560xf32, #tpu.memory_space<hbm>>) target_semaphore(%arg10 : memref<!tpu.dma_semaphore, #tpu.memory_space<semaphore_mem>>)
      %dma_wait3A_496 = arith.constant 0 : i32
      %dma_wait3A_497 = arith.constant 0 : i32
      %dma_wait3A_498 = tpu.memref_slice %arg6[%dma_wait3A_496, %dma_wait3A_497] : memref<24x2560xf32, #tpu.memory_space<vmem>> -> memref<8x2560xf32, #tpu.memory_space<vmem>>
      %dma_wait3A_499 = arith.constant 0 : i32
      %dma_wait3A_500 = arith.constant 0 : i32
      %dma_wait3A_501 = tpu.memref_slice %arg3[%add3A_286, %dma_wait3A_499, %dma_wait3A_500] : memref<1365x8x2560xf32, #tpu.memory_space<hbm>> -> memref<1x8x2560xf32, #tpu.memory_space<hbm>>
      %dma_wait3A_502 = tpu.memref_squeeze %dma_wait3A_501 : memref<1x8x2560xf32, #tpu.memory_space<hbm>> -> memref<8x2560xf32, #tpu.memory_space<hbm>>
      %dma_wait3A_503 = arith.constant 0 : i32
      %dma_wait3A_504 = arith.constant 0 : i32
      %dma_wait3A_505 = tpu.memref_slice %arg3[%add3A_286, %dma_wait3A_503, %dma_wait3A_504] : memref<1365x8x2560xf32, #tpu.memory_space<hbm>> -> memref<1x8x2560xf32, #tpu.memory_space<hbm>>
      %dma_wait3A_506 = tpu.memref_squeeze %dma_wait3A_505 : memref<1x8x2560xf32, #tpu.memory_space<hbm>> -> memref<8x2560xf32, #tpu.memory_space<hbm>>
      %dma_wait3A_507 = arith.constant 0 : i32
      %dma_wait3A_508 = arith.constant 0 : i32
      %dma_wait3A_509 = tpu.memref_slice %arg6[%dma_wait3A_507, %dma_wait3A_508] : memref<24x2560xf32, #tpu.memory_space<vmem>> -> memref<8x2560xf32, #tpu.memory_space<vmem>>
      tpu.wait_dma2 semaphore(%arg10 : memref<!tpu.dma_semaphore, #tpu.memory_space<semaphore_mem>>) src(%dma_wait3A_509 : memref<8x2560xf32, #tpu.memory_space<vmem>>) dst(%dma_wait3A_506 : memref<8x2560xf32, #tpu.memory_space<hbm>>)
    } else {
    }
    return
  }
}

</mosaic_0001>

<sc_bundles>
// kernel: kernel.3.cloned.1.call-start
scs
__scs_entry_jumppad:
0x0: {  	(pc) =	sbr.rel $0x88, $3  }
0x1: {  	(tag) =	ssettag $0x0;
	lr =	simm.s32 $0x1  }
0x2: {  	[smem:$0x3FA0] =	sst lr;
	_ =	strace $0xD0000000  }
0x3: {  	_ = 	snop  }
0x4: {  	_ = 	snop  }
0x5: {  	_ = 	snop  }
0x6: {  	_ = 	snop  }
0x7: {  	_ = 	snop  }
__scs_overlays_trampoline_lowered:
0x8: {  	[smem:$0x3FAF] =	sst s0  }
0x9: {  	[smem:$0x3FB0] =	sst s1  }
0xa: {  	[smem:$0x3FB1] =	sst s2  }
0xb: {  	[smem:$0x3FB2] =	sst s3  }
0xc: {  	[smem:$0x3FB3] =	sst s4  }
0xd: {  	[smem:$0x3FB4] =	sst s5  }
0xe: {  	[smem:$0x3FB5] =	sst s6  }
0xf: {  	[smem:$0x3FB6] =	sst s7  }
0x10: {  	[smem:$0x3FB7] =	sst s8  }
0x11: {  	[smem:$0x3FB8] =	sst s9;
	s0 =	simm.s32 @!p0 $0x0  }
0x12: {  	s1 =	sld [smem:$0x3F9E];
	s0 =	simm.s32 @p0 $0x1  }
0x13: {  	[smem:$0x3FB9] =	sst s0;
	s0 =	simm.s32 @!p1 $0x0  }
0x14: {  	s2 =	sld [smem:$0x3F9D];
	s0 =	simm.s32 @p1 $0x1  }
0x15: {  	[smem:$0x3FBA] =	sst s0;
	s0 =	simm.s32 @!p2 $0x0  }
0x16: {  	s3 =	sld [smem:$0x3FDB];
	s0 =	simm.s32 @p2 $0x1  }
0x17: {  	s4 =	simm.s32 $0x1BF5;
	[smem:$0x3FBC] =	sst s0  }
0x18: {  	s0 =	sld [smem:$0x3F9F];
	_ =	swait.ge [sflag:s4], $0x0  }
0x19: {  	s7 =	sld [smem:$0x3FA0]  }
0x1a: {  	s8 =	sadd.s32 $0xFFFFE003, lr  }
0x1b: {  	s9 =	sadd.s32 $0xFFFFFEF7, lr;
	s5 =	simm.s32 $0xFFFFFFFF;
	p2 =	slt.u32 s8, $0xFFFFF086  }
0x1c: {  	p1 =	slt.u32 s9, $0xF7A;
	s5 =	simm.s32 @!p2 $0x0  }
0x1d: {  	s5 =	simm.s32 @p1 $0x1;
	p0 =	seq.s32 s7, s2  }
0x1e: {  	s7 =	smul.u32 @!p0 $0xF7A, s2;
	p2 =	seq.s32 @!p0 s5, $0x0  }
0x1f: {  	s9 =	smul.u32 $0xF7A, s1;
	s8 =	simm.s32 @!p0 $0x1BF5;
	p2 =	por !p2, p0  }
0x20: {  	[sflag:s8] =	ssyncset.s32 @!p0 $0xFFFFF086;
	s6 =	sadd.s32 @!p0 s3, s7;
	s7 =	simm.s32 @!p0 $0x108  }
0x21: {  	s3 =	sadd.s32 s3, s9;
	s6 =	sadd.s32 @!p0 $0x88, s6;
	s7 =	simm.s32 @p2 $0x1082  }
0x22: {  	[simem:s7], [sflag:s8] =	dma.local @!p0 [hbm:s6], $0xF7A  }
0x23: {  	s9 =	sor.u32 $0xD0000000, s2;
	s6 =	simm.s32 $0x108;
	_ =	swait.ge @!p0 [sflag:s8], $0x0  }
0x24: {  	s3 =	sadd.s32 $0x88, s3;
	s6 =	simm.s32 @!p1 $0x1082;
	[sflag:s4] =	ssyncset.s32 $0xFFFFF086  }
0x25: {  	[simem:s6], [sflag:s4] =	dma.local [hbm:s3], $0xF7A  }
0x26: {  	[smem:$0x3FA0] =	sst s1;
	(tag) =	ssettag s2;
	_ =	strace s9  }
0x27: {  	s1 =	sld [smem:$0x3FB0]  }
0x28: {  	s2 =	sld [smem:$0x3FB1]  }
0x29: {  	s4 =	sld [smem:$0x3FB3]  }
0x2a: {  	p0 =	seq.s32 s5, $0x0;
	s5 =	sld [smem:$0x3FB4]  }
0x2b: {  	s6 =	sld [smem:$0x3FB5]  }
0x2c: {  	s7 =	sld [smem:$0x3FB6]  }
0x2d: {  	s3 =	simm.s32 $0x108;
	s8 =	sld [smem:$0x3FB7]  }
0x2e: {  	s3 =	simm.s32 @!p0 $0x1082;
	s9 =	sld [smem:$0x3FB8]  }
0x2f: {  	lr =	sadd.s32 s0, s3;
	s0 =	sld [smem:$0x3FAF]  }
0x30: {  	s3 =	sld [smem:$0x3FB2]  }
0x31: {  	[smem:$0x3FBB] =	sst s10  }
0x32: {  	s10 =	sld [smem:$0x3FB9];
	_ =	sdelay $0x3  }
0x33: {  	p0 =	seq.s32 s10, $0x1;
	s10 =	sld [smem:$0x3FBB];
	_ =	sdelay $0x3  }
0x34: {  	[smem:$0x3FBB] =	sst s10  }
0x35: {  	s10 =	sld [smem:$0x3FBA];
	_ =	sdelay $0x3  }
0x36: {  	p1 =	seq.s32 s10, $0x1;
	s10 =	sld [smem:$0x3FBB];
	_ =	sdelay $0x3  }
0x37: {  	[smem:$0x3FBB] =	sst s10  }
0x38: {  	s10 =	sld [smem:$0x3FBC]  }
0x39: {  	_ = 	snop;
	(pc) =	sbr.ind lr, $3  }
0x3a: {  	_ = 	snop  }
0x3b: {  	_ = 	snop  }
0x3c: {  	p2 =	seq.s32 s10, $0x1;
	s10 =	sld [smem:$0x3FBB]  }
0x3d: {  	_ =	shalt  }
0x3e: {  	_ =	shalt  }
0x3f: {  	_ =	shalt  }
0x40: {  	_ =	shalt  }
0x41: {  	_ =	shalt  }
0x42: {  	_ =	shalt  }
0x43: {  	_ =	shalt  }
0x44: {  	_ =	shalt  }
0x45: {  	_ =	shalt  }
0x46: {  	_ =	shalt  }
0x47: {  	_ =	shalt  }
0x48: {  	_ =	shalt  }
0x49: {  	_ =	shalt  }
0x4a: {  	_ =	shalt  }
0x4b: {  	_ =	shalt  }
0x4c: {  	_ =	shalt  }
0x4d: {  	_ =	shalt  }
0x4e: {  	_ =	shalt  }
0x4f: {  	_ =	shalt  }
0x50: {  	_ =	shalt  }
0x51: {  	_ =	shalt  }
0x52: {  	_ =	shalt  }
0x53: {  	_ =	shalt  }
0x54: {  	_ =	shalt  }
0x55: {  	_ =	shalt  }
0x56: {  	_ =	shalt  }
0x57: {  	_ =	shalt  }
0x58: {  	_ =	shalt  }
0x59: {  	_ =	shalt  }
0x5a: {  	_ =	shalt  }
0x5b: {  	_ =	shalt  }
0x5c: {  	_ =	shalt  }
0x5d: {  	_ =	shalt  }
0x5e: {  	_ =	shalt  }
0x5f: {  	_ =	shalt  }
0x60: {  	_ =	shalt  }
0x61: {  	_ =	shalt  }
0x62: {  	_ =	shalt  }
0x63: {  	_ =	shalt  }
0x64: {  	_ =	shalt  }
0x65: {  	_ =	shalt  }
0x66: {  	_ =	shalt  }
0x67: {  	_ =	shalt  }
0x68: {  	_ =	shalt  }
0x69: {  	_ =	shalt  }
0x6a: {  	_ =	shalt  }
0x6b: {  	_ =	shalt  }
0x6c: {  	_ =	shalt  }
0x6d: {  	_ =	shalt  }
0x6e: {  	_ =	shalt  }
0x6f: {  	_ =	shalt  }
0x70: {  	_ =	shalt  }
0x71: {  	_ =	shalt  }
0x72: {  	_ =	shalt  }
0x73: {  	_ =	shalt  }
0x74: {  	_ =	shalt  }
0x75: {  	_ =	shalt  }
0x76: {  	_ =	shalt  }
0x77: {  	_ =	shalt  }
0x78: {  	_ =	shalt  }
0x79: {  	_ =	shalt  }
0x7a: {  	_ =	shalt  }
0x7b: {  	_ =	shalt  }
0x7c: {  	_ =	shalt  }
0x7d: {  	_ =	shalt  }
0x7e: {  	_ =	shalt  }
0x7f: {  	_ =	shalt  }
0x80: {  	_ =	shalt  }
0x81: {  	_ =	shalt  }
0x82: {  	_ =	shalt  }
0x83: {  	_ =	shalt  }
0x84: {  	_ =	shalt  }
0x85: {  	_ =	shalt  }
0x86: {  	_ =	shalt  }
0x87: {  	_ =	shalt  }
.Lfunc_end0:
.L_simem_size_0:
called_computation_lowered:
.L_overlay_start_0:
0x88: {  	s2 =	sld [smem:$0x3FD9]  }
0x89: {  	s3 =	sld [smem:$0x3FFE];
	_ =	sdelay $0x1  }
0x8a: {  	s1 =	srdreg.scid  }
0x8b: {  	s0 =	sand.u32 $0x1, s1  }
0x8c: {  	s18 =	sshll.u32 s0, $0xA;
	s2 =	sadd.s32 s3, s2  }
0x8d: {  	s2 =	sadd.s32 s2, s18  }
0x8e: {  	[smem:$0x3FC7] =	sst s2  }
0x8f: {  	_ = 	snop  }
0x90: {  	s2 =	sld [smem:$0x3FC9]  }
0x91: {  	s19 =	sld [smem:$0x3FD0];
	(tm) =	ssettm $0x1  }
0x92: {  	s4 =	sld [smem:$0x3FFB];
	_ =	sdelay $0x3  }
0x93: {  	_ =	strace s4  }
0x94: {  	s4 =	sld [smem:$0x3FFC];
	_ =	sdelay $0x3  }
0x95: {  	_ =	strace s4  }
0x96: {  	s4 =	sld [smem:$0x3FFD];
	_ =	sdelay $0x3  }
0x97: {  	_ =	strace s4  }
0x98: {  	_ =	strace $0x8FFFFFFF  }
0x99: {  	s20 =	sld [smem:$0x3FDB];
	_ =	sdelay $0x1  }
0x9a: {  	s5 =	simm.s32 $_scs_section_size  }
0x9b: {  	s6 =	simm.s32 $_size__tile_overlayer_lowered;
	s7 =	simm.s32 $_tile_overlayer_lowered  }
0x9c: {  	s23 =	simm.s32 $0x1BFF;
	s22 =	sshll.u32 s7, $0x1;
	s4 =	sadd.s32 s5, s20  }
0x9d: {  	s8 =	simm.s32 $0x0;
	s21 =	sshll.u32 s6, $0x1;
	s6 =	sadd.s32 s22, s4  }
0x9e: {  	[timem:s8], [sflag:s23] =	dma.local [hbm:s6], s21  }
0x9f: {  	_ =	swait.ge [sflag:s23], s21  }
0xa0: {  	s5 =	ssub.s32 $0x0, s21;
	[sflag:s23] =	ssyncset.done $0x0  }
0xa1: {  	[sflag:s23] =	ssyncadd.s32 s5;
	_ =	sdelay $0x1  }
0xa2: {  	s24 =	simm.s32 $0x1B8B  }
0xa3: {  	_ =	swait.ge [sflag:s24], $0x1  }
0xa4: {  	[sflag:s24] =	ssyncset.done $0x0  }
0xa5: {  	s25 =	simm.s32 $0x1B8E;
	[sflag:s24] =	ssyncadd.s32 $0xFFFFFFFF  }
0xa6: {  	s26 =	simm.s32 $execute0_lowered;
	[smem:$0x3FD2] =	sst s25  }
0xa7: {  	s5 =	sshll.u32 s26, $0x1;
	_ =	strace $0x80000046;
	[dreg:$0x1] =	wrdreg $0xFFFFFFFF  }
0xa8: {  	s28 =	simm.s32 $_size_execute0_lowered;
	s4 =	sadd.s32 s4, s5;
	[dreg:$0x0] =	wrdreg $0x0  }
0xa9: {  	s5 =	sshll.u32 s28, $0x1;
	[dreg:$0x2] =	wrdreg s4  }
0xaa: {  	[dreg:$0x3] =	wrdreg s5  }
0xab: {  	[dreg:$0x4] =	wrdreg $0xC0  }
0xac: {  	_ =	task [dreg:s8], $0x5FFFF  }
0xad: {  	[dreg:$0x1] =	wrdreg $0xFFFFFFFF  }
0xae: {  	[dreg:$0x0] =	wrdreg $0x60  }
0xaf: {  	[dreg:$0x2] =	wrdreg s2  }
0xb0: {  	[dreg:$0x3] =	wrdreg s19  }
0xb1: {  	[dreg:$0x4] =	wrdreg $0x9  }
0xb2: {  	_ =	task.clear_ibuf [dreg:s8], $0x5FFFF;
	_ =	strace $0x90000046  }
0xb3: {  	s29 =	simm.s32 $0x9;
	_ =	strace $0x80000048  }
0xb4: {  	_ =	swait.ge [sflag:s29], $0x1  }
0xb5: {  	[sflag:s29] =	ssyncadd.s32 $0xFFFFFFFF  }
0xb6: {  	_ =	strace $0x90000048  }
0xb7: {  	_ =	sfence  }
0xb8: {  	s30 =	sld [smem:$0x0];
	_ =	sdelay $0x2  }
0xb9: {  	s31 =	sshll.u32 s1, $0xD;
	s1 =	sshrl.u32 s1, $0x2  }
0xba: {  	s3 =	sand.u32 $0x4000, s31;
	s1 =	sadd.s32 s1, s30  }
0xbb: {  	s0 =	sor.u32 s3, s0;
	s1 =	sshll.u32 s1, $0x11  }
0xbc: {  	s0 =	sor.u32 s1, s0  }
0xbd: {  	s0 =	sadd.s32 $0x8F2B, s0  }
0xbe: {  	[sflag:s0] =	ssyncadd.remote.s32 $0x1  }
0xbf: {  	_ =	sfence.sel $0xFFFF  }
0xc0: {  	[dreg:$0x0] =	wrdreg $0xFFFFFFFF;
	(pc) =	sbr.abs _section_cstart, $3  }
0xc1: {  	[dreg:$0x1] =	wrdreg $0xFFFFFFFF  }
0xc2: {  	_ =	task.clear_ibuf [dreg:s8], $0x2FFFF;
	_ =	strace $0x9FFFFFFF  }
0xc3: {  	(tm) =	ssettm $0x7FFFFFFF  }
tec
execute0_lowered:
.L_overlay_start_1:
0x0: {  	(tag) =	ssettag $0x1  }
0x1: {  	vm13 =	vcmask $0x300  }
0x2: {  	v0 =	vimm.s32 $0x7003;
	v19 =	vlaneseq.u32;
	vm14 =	vcmask $0x704  }
0x3: {  	vm12 =	vcmask $0xB08;
	vm11 =	vcmask $0xF0C;
	vm10 =	vcmask $0x1310  }
0x4: {  	vm9 =	vcmask $0x1714;
	vm7 =	vcmask $0x1B18;
	vm5 =	vcmask $0x1F1C  }
0x5: {  	v4 =	vimm.s32 $0x7004;
	vm0 =	vcmask $0x2320;
	v5 =	vimm.s32 $0x7005  }
0x6: {  	vm1 =	vcmask $0x2724;
	vm2 =	vcmask $0x2B28;
	vm3 =	vcmask $0x2F2C  }
0x7: {  	vm4 =	vcmask $0x3330;
	vm6 =	vcmask $0x3734;
	vm8 =	vcmask $0x3B38  }
0x8: {  	v6 =	vimm.s32 $0x7006;
	v7 =	vimm.s32 $0x7007;
	v8 =	vimm.s32 $0x7008  }
0x9: {  	v0 =	vsel vm13, $0x0, v0;
	v18 =	vshrl.u32 v19, $0x3;
	v4 =	vsel vm13, $0x1, v4  }
0xa: {  	v5 =	vsel vm13, $0x2, v5;
	v6 =	vsel vm13, $0x3, v6;
	v7 =	vsel vm13, $0x4, v7  }
0xb: {  	v8 =	vsel vm13, $0x5, v8;
	v16 =	vmul.u32 $0x1000, v19;
	v12 =	vand.u32 $0x7, v19  }
0xc: {  	v19 =	vor.u32 $0x8, v19;
	v1 =	vsel vm14, $0x1000, v0;
	v0 =	vmul.u32 $0x3, v18  }
0xd: {  	v4 =	vsel vm14, $0x1001, v4;
	v5 =	vsel vm14, $0x1002, v5;
	v6 =	vsel vm14, $0x1003, v6  }
0xe: {  	v7 =	vsel vm14, $0x1004, v7;
	v8 =	vsel vm14, $0x1005, v8;
	v18 =	vmul.u32 $0x8, v18  }
0xf: {  	v1 =	vsel vm12, $0x2000, v1;
	v4 =	vsel vm12, $0x2001, v4;
	v5 =	vsel vm12, $0x2002, v5  }
0x10: {  	s0 =	srdreg.scid;
	s10 =	stileid.u32;
	v6 =	vsel vm12, $0x2003, v6;
	v7 =	vsel vm12, $0x2004, v7;
	v8 =	vsel vm12, $0x2005, v8  }
0x11: {  	s6 =	sand.u32 $0x1, s0;
	s20 =	sshll.u32 s10, $0x1;
	v2 =	vsel vm11, $0x3000, v1;
	v1 =	vadd.s32 $0xFFFFFFFE, v0;
	v4 =	vsel vm11, $0x3001, v4  }
0x12: {  	s5 =	sor.u32 s6, s20;
	v5 =	vsel vm11, $0x3002, v5;
	v6 =	vsel vm11, $0x3003, v6;
	v7 =	vsel vm11, $0x3004, v7  }
0x13: {  	s0 =	smul.u32 $0x9, s5;
	v8 =	vsel vm11, $0x3005, v8;
	v21 =	vadd.s32 $0x2, v0;
	v22 =	vadd.s32 $0x3, v0  }
0x14: {  	v23 =	vor.u32 $0x4, v0;
	v24 =	vadd.s32 $0x5, v0;
	v2 =	vsel vm10, $0x4000, v2  }
0x15: {  	v13 =	vadd.s32 s0, v1;
	v4 =	vsel vm10, $0x4001, v4;
	v5 =	vsel vm10, $0x4002, v5  }
0x16: {  	s4 =	sor.u32 $0x540, s5;
	v6 =	vsel vm10, $0x4003, v6;
	v7 =	vsel vm10, $0x4004, v7;
	v8 =	vsel vm10, $0x4005, v8  }
0x17: {  	s2 =	smul.u32 $0x3, s4;
	v3 =	vsel vm9, $0x5000, v2;
	v2 =	vadd.s32 $0xFFFFFFFF, v0;
	v4 =	vsel vm9, $0x5001, v4  }
0x18: {  	v5 =	vsel vm9, $0x5002, v5;
	v6 =	vsel vm9, $0x5003, v6;
	v7 =	vsel vm9, $0x5004, v7  }
0x19: {  	v8 =	vsel vm9, $0x5005, v8;
	v11 =	vor.u32 s2, v16;
	v3 =	vsel vm7, $0x6000, v3  }
0x1a: {  	v15 =	vadd.s32 s0, v2;
	v4 =	vsel vm7, $0x6001, v4;
	v5 =	vsel vm7, $0x6002, v5  }
0x1b: {  	s22 =	sadd.s32 $0xFFFFFFFE, s2;
	s11 =	sadd.s32 $0xFFFFFFFF, s2;
	s23 =	sadd.s32 $0x1, s2;
	v6 =	vsel vm7, $0x6003, v6;
	v7 =	vsel vm7, $0x6004, v7;
	v8 =	vsel vm7, $0x6005, v8  }
0x1c: {  	v9 =	vor.u32 s22, v16;
	v10 =	vor.u32 s11, v16;
	v14 =	vor.u32 s23, v16  }
0x1d: {  	v3 =	vsel vm5, $0x7000, v3;
	v4 =	vsel vm5, $0x7001, v4;
	v5 =	vsel vm5, $0x7002, v5  }
0x1e: {  	v6 =	vsel vm5, $0x7003, v6;
	v7 =	vsel vm5, $0x7004, v7;
	v8 =	vsel vm5, $0x7005, v8  }
0x1f: {  	v3 =	vsel vm0, $0x3, v3;
	v4 =	vsel vm0, $0x4, v4;
	v5 =	vsel vm0, $0x5, v5  }
0x20: {  	v6 =	vsel vm0, $0x6, v6;
	v7 =	vsel vm0, $0x7, v7;
	v8 =	vsel vm0, $0x8, v8  }
0x21: {  	vm0 =	vgt.s32 v13, $0x0;
	v3 =	vsel vm1, $0x1003, v3;
	v4 =	vsel vm1, $0x1004, v4  }
0x22: {  	s1 =	rddreg [dreg:$0x0];
	v5 =	vsel vm1, $0x1005, v5;
	v6 =	vsel vm1, $0x1006, v6;
	v7 =	vsel vm1, $0x1007, v7  }
0x23: {  	s7 =	rddreg [dreg:$0x1];
	s3 =	simm.s32 $0x0;
	s30 =	simm.s32 $0x11800;
	v8 =	vsel vm1, $0x1008, v8;
	v17 =	vnsel vm0, $0x0, v13;
	v13 =	vmul.u32 $0x1000, v12  }
0x24: {  	s31 =	simm.s32 $0x12000;
	s28 =	simm.s32 $0x18000;
	s29 =	simm.s32 $0x1C800;
	vm0 =	vgt.s32 v15, $0x0;
	v3 =	vsel vm2, $0x2003, v3;
	v4 =	vsel vm2, $0x2004, v4  }
0x25: {  	s17 =	simm.s32 $0x18800;
	s18 =	simm.s32 $0x19000;
	s12 =	smul.u32 $0x3C00, s10;
	v5 =	vsel vm2, $0x2005, v5;
	v6 =	vsel vm2, $0x2006, v6;
	v7 =	vsel vm2, $0x2007, v7  }
0x26: {  	s19 =	simm.s32 $0x1D800;
	s15 =	smul.u32 $0x12, s10;
	s24 =	sadd.s32 $0x2, s2;
	v8 =	vsel vm2, $0x2008, v8;
	v17 =	vmin.u32 v17, $0xFFE;
	v20 =	vnsel vm0, $0x0, v15  }
0x27: {  	[smem:$0x7FF] =	sst s3;
	s10 =	simm.s32 $0x1E000;
	s14 =	smul.u32 $0x1E00, s6;
	v15 =	vor.u32 s24, v16;
	vm0 =	vmmov $0xffff;
	v3 =	vsel vm3, $0x3003, v3  }
0x28: {  	s8 =	ssub.s32 $0x2, s6;
	_ =	strace $0x80000047;
	s16 =	smul.u32 $0x9, s6;
	v4 =	vsel vm3, $0x3004, v4;
	v5 =	vsel vm3, $0x3005, v5;
	v6 =	vsel vm3, $0x3006, v6  }
0x29: {  	s6 =	simm.s32 $0x14000;
	s20 =	simm.s32 $0x1;
	s21 =	sshrl.u32 s8, $0x1;
	v7 =	vsel vm3, $0x3007, v7;
	v8 =	vsel vm3, $0x3008, v8;
	v16 =	vor.u32 v13, v17  }
0x2a: {  	p0 =	sgt.u32 s5, $0x14;
	s5 =	simm.s32 $0x13800;
	s9 =	smul.u32 $0xA00, s4;
	v17 =	vmin.u32 v20, $0xFFE;
	v20 =	vadd.s32 $0x1, v0;
	v3 =	vsel vm4, $0x4003, v3  }
0x2b: {  	s13 =	ssub.s32 s8, s21;
	s4 =	sadd.s32 $0x100, s1;
	s26 =	sadd.s32 s16, s15;
	v4 =	vsel vm4, $0x4004, v4;
	v5 =	vsel vm4, $0x4005, v5;
	v6 =	vsel vm4, $0x4006, v6  }
0x2c: {  	s21 =	simm.s32 $0x17000;
	s8 =	simm.s32 $0x12800;
	s16 =	simm.s32 $0x0;
	v7 =	vsel vm4, $0x4007, v7;
	v8 =	vsel vm4, $0x4008, v8;
	v17 =	vor.u32 v13, v17  }
0x2d: {  	s25 =	smax.u32 s13, $0x1;
	[dreg:$0x5] =	wrdreg s26;
	s13 =	simm.s32 $0x1D000;
	v3 =	vsel vm6, $0x5003, v3;
	v4 =	vsel vm6, $0x5004, v4;
	v5 =	vsel vm6, $0x5005, v5  }
.Ltmp0:
0x2e: {  	s9 =	sadd.s32 s7, s9;
	s7 =	sadd.s32 s12, s7;
	v6 =	vsel vm6, $0x5006, v6;
	v7 =	vsel vm6, $0x5007, v7;
	v8 =	vsel vm6, $0x5008, v8;
	(pc) =	sbr.rel .LBB2_1-.Ltmp0, $4  }
0x2f: {  	[dreg:$0x4] =	wrdreg s25;
	s2 =	simm.s32 $0x16800;
	s12 =	simm.s32 $0x17800;
	v3 =	vsel vm8, $0x6003, v3;
	v4 =	vsel vm8, $0x6004, v4;
	v5 =	vsel vm8, $0x6005, v5  }
0x30: {  	[dreg:$0x3] =	wrdreg s9;
	s7 =	sadd.s32 s14, s7;
	s9 =	simm.s32 $0x800;
	v6 =	vsel vm8, $0x6006, v6;
	v7 =	vsel vm8, $0x6007, v7;
	v8 =	vsel vm8, $0x6008, v8  }
0x31: {  	s14 =	simm.s32 $0xF800;
	s22 =	simm.s32 $0x1B800;
	s11 =	simm.s32 $0x13000;
	v3 =	vadd.s32 s0, v3;
	v4 =	vadd.s32 s0, v4;
	v5 =	vadd.s32 s0, v5  }
0x32: {  	s23 =	simm.s32 $0x2;
	s24 =	simm.s32 $0x3;
	v6 =	vadd.s32 s0, v6;
	v7 =	vadd.s32 s0, v7;
	v8 =	vadd.s32 s0, v8;
	s0 =	simm.s32 $0x1C000  }
.LBB2_7:
0x33: {  	s16 =	sadd.s32 $0x1, s16;
	s15 =	rddreg [dreg:$0x4]  }
0x34: {  	p1 =	sne.s32 s16, s15  }
.Ltmp1:
0x35: {  	_ = 	snop;
	(pc) =	sbr.rel @!p1 .LBB2_8-.Ltmp1, $1  }
0x36: {  	_ =	sdelay $0x3  }
.LBB2_1:
0x37: {  	[tilespmem:$0x0] =	vst v16  }
0x38: {  	[tilespmem:$0x8] =	vst v4  }
0x39: {  	v25 =	vld [tilespmem:$0x0];
	_ =	sdelay $0x4  }
0x3a: {  	v26 =	vshll.u32 v25, $0x2  }
0x3b: {  	v25 =	vand.u32 $0x7, v25;
	v26 =	vand.u32 $0xFFFFFFE0, v26  }
0x3c: {  	[tilespmem:$0x80] =	vst v17;
	v25 =	vor.u32 v25, v26  }
0x3d: {  	[tilespmem:$0x100] =	vst v3;
	v26 =	vperm.xlane v25, v12  }
0x3e: {  	[tilespmem:$0x180] =	vst v4  }
0x3f: {  	[tilespmem:$0x200] =	vst v5;
	v26 =	vadd.s32 v18, v26  }
0x40: {  	[tilespmem:$0x88] =	vst v5  }
0x41: {  	[tilespmem:$0x108] =	vst v6;
	v25 =	vperm.xlane v25, v19  }
0x42: {  	[tilespmem:$0x188] =	vst v7  }
0x43: {  	[tilespmem:$0x208] =	vst v8;
	v25 =	vadd.s32 v18, v25  }
0x44: {  	[tilespmem:s9], [sflag:$0x1] =	stream.indirect_vreg.gather [hbm4b:s1+s3], $0x80, v26, vm0, $0xb8;
	[tilespmem:$0x1E800] =	vst v63  }
0x45: {  	s15 =	simm.s32 $0x1000  }
0x46: {  	[tilespmem:s15], [sflag:$0x1] =	stream.indirect_vreg.gather [hbm4b:s4+s3], $0x80, v26, vm0, $0xb8;
	[tilespmem:$0x1E800] =	vst v63  }
0x47: {  	s26 =	simm.s32 $0x5800  }
0x48: {  	[tilespmem:s26], [sflag:$0x1] =	stream.indirect_vreg.gather [hbm4b:s1+s3], $0x80, v25, vm0, $0xb8;
	[tilespmem:$0x1E800] =	vst v63  }
0x49: {  	[dreg:$0x6] =	wrdreg s16;
	s16 =	simm.s32 $0x6000  }
0x4a: {  	[tilespmem:s16], [sflag:$0x1] =	stream.indirect_vreg.gather [hbm4b:s4+s3], $0x80, v25, vm0, $0xb8;
	[tilespmem:$0x1E800] =	vst v63  }
0x4b: {  	v25 =	vld.msk [tilespmem:$0x10], $0xff;
	_ =	sdelay $0x4  }
0x4c: {  	v26 =	vshll.u32 v25, $0x2  }
0x4d: {  	v25 =	vand.u32 $0x7, v25;
	v26 =	vand.u32 $0xFFFFFFE0, v26  }
0x4e: {  	v25 =	vor.u32 v25, v26  }
0x4f: {  	v25 =	vperm.xlane v25, v12;
	_ =	sdelay $0x1  }
0x50: {  	v25 =	vadd.s32 v18, v25;
	_ =	sdelay $0x3  }
0x51: {  	s25 =	simm.s32 $0xA800  }
0x52: {  	[tilespmem:s25], [sflag:$0x1] =	stream.indirect_vreg.gather [hbm4b:s1+s3], $0x80, v25, vm0, $0xb8;
	[tilespmem:$0x1E800] =	vst v63  }
0x53: {  	s26 =	simm.s32 $0xB000  }
0x54: {  	[tilespmem:s26], [sflag:$0x1] =	stream.indirect_vreg.gather [hbm4b:s4+s3], $0x80, v25, vm0, $0xb8;
	[tilespmem:$0x1E800] =	vst v63  }
0x55: {  	v25 =	vld [tilespmem:$0x80];
	_ =	sdelay $0x4  }
0x56: {  	v26 =	vshll.u32 v25, $0x2  }
0x57: {  	v25 =	vand.u32 $0x7, v25;
	v26 =	vand.u32 $0xFFFFFFE0, v26  }
0x58: {  	v25 =	vor.u32 v25, v26  }
0x59: {  	v26 =	vperm.xlane v25, v12;
	_ =	sdelay $0x1  }
0x5a: {  	v26 =	vadd.s32 v18, v26;
	_ =	sdelay $0x1  }
0x5b: {  	v25 =	vperm.xlane v25, v19;
	_ =	sdelay $0x1  }
0x5c: {  	s16 =	simm.s32 $0x1800;
	v25 =	vadd.s32 v18, v25  }
0x5d: {  	[tilespmem:s16], [sflag:$0x1] =	stream.indirect_vreg.gather [hbm4b:s1+s3], $0x80, v26, vm0, $0xb8;
	[tilespmem:$0x1E800] =	vst v63  }
0x5e: {  	s25 =	simm.s32 $0x2000  }
0x5f: {  	[tilespmem:s25], [sflag:$0x1] =	stream.indirect_vreg.gather [hbm4b:s4+s3], $0x80, v26, vm0, $0xb8;
	[tilespmem:$0x1E800] =	vst v63  }
0x60: {  	s26 =	simm.s32 $0x6800  }
0x61: {  	[tilespmem:s26], [sflag:$0x1] =	stream.indirect_vreg.gather [hbm4b:s1+s3], $0x80, v25, vm0, $0xb8;
	[tilespmem:$0x1E800] =	vst v63  }
0x62: {  	s16 =	simm.s32 $0x7000  }
0x63: {  	[tilespmem:s16], [sflag:$0x1] =	stream.indirect_vreg.gather [hbm4b:s4+s3], $0x80, v25, vm0, $0xb8;
	[tilespmem:$0x1E800] =	vst v63  }
0x64: {  	v25 =	vld.msk [tilespmem:$0x90], $0xff;
	_ =	sdelay $0x4  }
0x65: {  	v26 =	vshll.u32 v25, $0x2  }
0x66: {  	v25 =	vand.u32 $0x7, v25;
	v26 =	vand.u32 $0xFFFFFFE0, v26  }
0x67: {  	v25 =	vor.u32 v25, v26  }
0x68: {  	v25 =	vperm.xlane v25, v12;
	_ =	sdelay $0x1  }
0x69: {  	v25 =	vadd.s32 v18, v25;
	_ =	sdelay $0x3  }
0x6a: {  	s25 =	simm.s32 $0xB800  }
0x6b: {  	[tilespmem:s25], [sflag:$0x1] =	stream.indirect_vreg.gather [hbm4b:s1+s3], $0x80, v25, vm0, $0xb8;
	[tilespmem:$0x1E800] =	vst v63  }
0x6c: {  	s26 =	simm.s32 $0xC000  }
0x6d: {  	[tilespmem:s26], [sflag:$0x1] =	stream.indirect_vreg.gather [hbm4b:s4+s3], $0x80, v25, vm0, $0xb8;
	[tilespmem:$0x1E800] =	vst v63  }
0x6e: {  	v25 =	vld [tilespmem:$0x100];
	_ =	sdelay $0x4  }
0x6f: {  	v26 =	vshll.u32 v25, $0x2  }
0x70: {  	v25 =	vand.u32 $0x7, v25;
	v26 =	vand.u32 $0xFFFFFFE0, v26  }
0x71: {  	v25 =	vor.u32 v25, v26  }
0x72: {  	v26 =	vperm.xlane v25, v12;
	_ =	sdelay $0x1  }
0x73: {  	v26 =	vadd.s32 v18, v26;
	_ =	sdelay $0x1  }
0x74: {  	v25 =	vperm.xlane v25, v19;
	_ =	sdelay $0x1  }
0x75: {  	s16 =	simm.s32 $0x2800;
	v25 =	vadd.s32 v18, v25  }
0x76: {  	[tilespmem:s16], [sflag:$0x1] =	stream.indirect_vreg.gather [hbm4b:s1+s3], $0x80, v26, vm0, $0xb8;
	[tilespmem:$0x1E800] =	vst v63  }
0x77: {  	s25 =	simm.s32 $0x3000  }
0x78: {  	[tilespmem:s25], [sflag:$0x1] =	stream.indirect_vreg.gather [hbm4b:s4+s3], $0x80, v26, vm0, $0xb8;
	[tilespmem:$0x1E800] =	vst v63  }
0x79: {  	s26 =	simm.s32 $0x7800  }
0x7a: {  	[tilespmem:s26], [sflag:$0x1] =	stream.indirect_vreg.gather [hbm4b:s1+s3], $0x80, v25, vm0, $0xb8;
	[tilespmem:$0x1E800] =	vst v63  }
0x7b: {  	s16 =	simm.s32 $0x8000  }
0x7c: {  	[tilespmem:s16], [sflag:$0x1] =	stream.indirect_vreg.gather [hbm4b:s4+s3], $0x80, v25, vm0, $0xb8;
	[tilespmem:$0x1E800] =	vst v63  }
0x7d: {  	v25 =	vld.msk [tilespmem:$0x110], $0xff;
	_ =	sdelay $0x4  }
0x7e: {  	v26 =	vshll.u32 v25, $0x2  }
0x7f: {  	v25 =	vand.u32 $0x7, v25;
	v26 =	vand.u32 $0xFFFFFFE0, v26  }
0x80: {  	v25 =	vor.u32 v25, v26  }
0x81: {  	v25 =	vperm.xlane v25, v12;
	_ =	sdelay $0x1  }
0x82: {  	v25 =	vadd.s32 v18, v25;
	_ =	sdelay $0x3  }
0x83: {  	s25 =	simm.s32 $0xC800  }
0x84: {  	[tilespmem:s25], [sflag:$0x1] =	stream.indirect_vreg.gather [hbm4b:s1+s3], $0x80, v25, vm0, $0xb8;
	[tilespmem:$0x1E800] =	vst v63  }
0x85: {  	s26 =	simm.s32 $0xD000  }
0x86: {  	[tilespmem:s26], [sflag:$0x1] =	stream.indirect_vreg.gather [hbm4b:s4+s3], $0x80, v25, vm0, $0xb8;
	[tilespmem:$0x1E800] =	vst v63  }
0x87: {  	v25 =	vld [tilespmem:$0x180];
	_ =	sdelay $0x4  }
0x88: {  	v26 =	vshll.u32 v25, $0x2  }
0x89: {  	v25 =	vand.u32 $0x7, v25;
	v26 =	vand.u32 $0xFFFFFFE0, v26  }
0x8a: {  	v25 =	vor.u32 v25, v26  }
0x8b: {  	v26 =	vperm.xlane v25, v12;
	_ =	sdelay $0x1  }
0x8c: {  	v26 =	vadd.s32 v18, v26;
	_ =	sdelay $0x1  }
0x8d: {  	v25 =	vperm.xlane v25, v19;
	_ =	sdelay $0x1  }
0x8e: {  	s16 =	simm.s32 $0x3800;
	v25 =	vadd.s32 v18, v25  }
0x8f: {  	[tilespmem:s16], [sflag:$0x1] =	stream.indirect_vreg.gather [hbm4b:s1+s3], $0x80, v26, vm0, $0xb8;
	[tilespmem:$0x1E800] =	vst v63  }
0x90: {  	s25 =	simm.s32 $0x4000  }
0x91: {  	[tilespmem:s25], [sflag:$0x1] =	stream.indirect_vreg.gather [hbm4b:s4+s3], $0x80, v26, vm0, $0xb8;
	[tilespmem:$0x1E800] =	vst v63  }
0x92: {  	s26 =	simm.s32 $0x8800  }
0x93: {  	[tilespmem:s26], [sflag:$0x1] =	stream.indirect_vreg.gather [hbm4b:s1+s3], $0x80, v25, vm0, $0xb8;
	[tilespmem:$0x1E800] =	vst v63  }
0x94: {  	s16 =	simm.s32 $0x9000  }
0x95: {  	[tilespmem:s16], [sflag:$0x1] =	stream.indirect_vreg.gather [hbm4b:s4+s3], $0x80, v25, vm0, $0xb8;
	[tilespmem:$0x1E800] =	vst v63  }
0x96: {  	v25 =	vld.msk [tilespmem:$0x190], $0xff;
	_ =	sdelay $0x4  }
0x97: {  	v26 =	vshll.u32 v25, $0x2  }
0x98: {  	v25 =	vand.u32 $0x7, v25;
	v26 =	vand.u32 $0xFFFFFFE0, v26  }
0x99: {  	v25 =	vor.u32 v25, v26  }
0x9a: {  	v25 =	vperm.xlane v25, v12;
	_ =	sdelay $0x1  }
0x9b: {  	v25 =	vadd.s32 v18, v25;
	_ =	sdelay $0x3  }
0x9c: {  	s25 =	simm.s32 $0xD800  }
0x9d: {  	[tilespmem:s25], [sflag:$0x1] =	stream.indirect_vreg.gather [hbm4b:s1+s3], $0x80, v25, vm0, $0xb8;
	[tilespmem:$0x1E800] =	vst v63  }
0x9e: {  	s26 =	simm.s32 $0xE000  }
0x9f: {  	[tilespmem:s26], [sflag:$0x1] =	stream.indirect_vreg.gather [hbm4b:s4+s3], $0x80, v25, vm0, $0xb8;
	[tilespmem:$0x1E800] =	vst v63  }
0xa0: {  	v25 =	vld [tilespmem:$0x200];
	_ =	sdelay $0x4  }
0xa1: {  	v26 =	vshll.u32 v25, $0x2  }
0xa2: {  	v25 =	vand.u32 $0x7, v25;
	v26 =	vand.u32 $0xFFFFFFE0, v26  }
0xa3: {  	v25 =	vor.u32 v25, v26  }
0xa4: {  	v26 =	vperm.xlane v25, v12;
	_ =	sdelay $0x1  }
0xa5: {  	v26 =	vadd.s32 v18, v26;
	_ =	sdelay $0x1  }
0xa6: {  	v25 =	vperm.xlane v25, v19;
	_ =	sdelay $0x1  }
0xa7: {  	s16 =	simm.s32 $0x4800;
	v25 =	vadd.s32 v18, v25  }
0xa8: {  	[tilespmem:s16], [sflag:$0x1] =	stream.indirect_vreg.gather [hbm4b:s1+s3], $0x80, v26, vm0, $0xb8;
	[tilespmem:$0x1E800] =	vst v63  }
0xa9: {  	s25 =	simm.s32 $0x5000  }
0xaa: {  	[tilespmem:s25], [sflag:$0x1] =	stream.indirect_vreg.gather [hbm4b:s4+s3], $0x80, v26, vm0, $0xb8;
	[tilespmem:$0x1E800] =	vst v63  }
0xab: {  	s26 =	simm.s32 $0x9800  }
0xac: {  	[tilespmem:s26], [sflag:$0x1] =	stream.indirect_vreg.gather [hbm4b:s1+s3], $0x80, v25, vm0, $0xb8;
	[tilespmem:$0x1E800] =	vst v63  }
0xad: {  	s16 =	simm.s32 $0xA000  }
0xae: {  	[tilespmem:s16], [sflag:$0x1] =	stream.indirect_vreg.gather [hbm4b:s4+s3], $0x80, v25, vm0, $0xb8;
	[tilespmem:$0x1E800] =	vst v63  }
0xaf: {  	v25 =	vld.msk [tilespmem:$0x210], $0xff;
	_ =	sdelay $0x4  }
0xb0: {  	v26 =	vshll.u32 v25, $0x2  }
0xb1: {  	v25 =	vand.u32 $0x7, v25;
	v26 =	vand.u32 $0xFFFFFFE0, v26  }
0xb2: {  	v25 =	vor.u32 v25, v26  }
0xb3: {  	v25 =	vperm.xlane v25, v12;
	_ =	sdelay $0x1  }
0xb4: {  	v25 =	vadd.s32 v18, v25;
	_ =	sdelay $0x2  }
.Ltmp2:
0xb5: {  	_ = 	snop;
	(pc) =	sbr.rel .LBB2_2-.Ltmp2, $4  }
0xb6: {  	s25 =	simm.s32 $0xE800  }
0xb7: {  	[tilespmem:s25], [sflag:$0x1] =	stream.indirect_vreg.gather [hbm4b:s1+s3], $0x80, v25, vm0, $0xb8;
	[tilespmem:$0x1E800] =	vst v63  }
0xb8: {  	s15 =	simm.s32 $0x0;
	s26 =	simm.s32 $0xF000;
	s25 =	rddreg [dreg:$0x5]  }
0xb9: {  	[tilespmem:s26], [sflag:$0x1] =	stream.indirect_vreg.gather [hbm4b:s4+s3], $0x80, v25, vm0, $0xb8;
	[tilespmem:$0x1E800] =	vst v63  }
.LBB2_4:
0xba: {  	_ =	swait.ge [sflag:s23], $0x3000  }
0xbb: {  	[sflag:s23] =	ssyncset.done $0x0  }
0xbc: {  	[sflag:s23] =	ssyncadd.s32 $0xFFFFD000  }
0xbd: {  	_ =	swait.ge [sflag:s23], $0x3000  }
0xbe: {  	[sflag:s23] =	ssyncset.done $0x0  }
0xbf: {  	[sflag:s23] =	ssyncadd.s32 $0xFFFFD000  }
0xc0: {  	_ =	swait.ge [sflag:s23], $0x3000  }
0xc1: {  	[sflag:s23] =	ssyncset.done $0x0  }
0xc2: {  	[sflag:s23] =	ssyncadd.s32 $0xFFFFD000  }
0xc3: {  	s15 =	sadd.s32 $0x78000, s15;
	_ =	swait.ge [sflag:s23], $0x3000  }
0xc4: {  	p1 =	sne.s32 s15, $0x348000;
	[sflag:s23] =	ssyncset.done $0x0  }
.Ltmp3:
0xc5: {  	[sflag:s23] =	ssyncadd.s32 $0xFFFFD000;
	(pc) =	sbr.rel @!p1 .LBB2_5-.Ltmp3, $4  }
0xc6: {  	_ =	swait.ge [sflag:s23], $0x3000  }
0xc7: {  	[sflag:s23] =	ssyncset.done $0x0  }
0xc8: {  	s16 =	sadd.s32 $0x3C000, s16;
	s25 =	sadd.s32 $0x240, s25;
	[sflag:s23] =	ssyncadd.s32 $0xFFFFD000  }
0xc9: {  	[hbm4b:s16+s3] =	stream.linear.scatter [tilespmem:s14], [sflag:$0x4], $0xF000, $0x38;
	[tilespmem:$0x1E800] =	vst v63  }
.LBB2_2:
0xca: {  	s16 =	sadd.s32 $0x120, s25  }
0xcb: {  	p1 =	seq.s32 s15, $0x0;
	v25 =	vadd.s32 s16, v1  }
0xcc: {  	s26 =	simm.s32 @!p1 $0x4;
	vm1 =	vgt.s32 v25, $0x0  }
0xcd: {  	v26 =	vadd.s32 s16, v20;
	_ =	swait.ge @!p1 [sflag:s26], $0xF000;
	v25 =	vnsel vm1, $0x0, v25  }
0xce: {  	[sflag:s26] =	ssyncset.done @!p1 $0x0;
	vm1 =	vlt.s32 v26, $0xFFE;
	v25 =	vmin.u32 v25, $0xFFE  }
0xcf: {  	[sflag:s26] =	ssyncadd.s32 @!p1 $0xFFFF1000;
	v26 =	vnsel vm1, $0xFFE, v26;
	v25 =	vor.u32 v13, v25  }
0xd0: {  	[tilespmem:$0x400] =	vst v25;
	v25 =	vor.u32 v13, v26  }
0xd1: {  	[tilespmem:$0x408] =	vst v25  }
0xd2: {  	v26 =	vld [tilespmem:$0x400];
	_ =	sdelay $0x1  }
0xd3: {  	v27 =	vadd.s32 s16, v2  }
0xd4: {  	v28 =	vadd.s32 s16, v0;
	v30 =	vadd.s32 s16, v21;
	vm1 =	vgt.s32 v27, $0x0  }
0xd5: {  	v62 =	vadd.s32 s16, v23;
	v27 =	vnsel vm1, $0x0, v27;
	vm1 =	vlt.s32 v28, $0xFFE  }
0xd6: {  	v27 =	vmin.u32 v27, $0xFFE;
	v28 =	vnsel vm1, $0xFFE, v28;
	v29 =	vshll.u32 v26, $0x2  }
0xd7: {  	vm1 =	vlt.s32 v30, $0xFFE;
	v26 =	vand.u32 $0x7, v26;
	v29 =	vand.u32 $0xFFFFFFE0, v29  }
0xd8: {  	v27 =	vor.u32 v13, v27;
	v28 =	vor.u32 v13, v28;
	[tilespmem:$0x580] =	vst v25;
	v26 =	vor.u32 v26, v29  }
0xd9: {  	v61 =	vnsel vm1, $0xFFE, v30;
	[tilespmem:$0x480] =	vst v27;
	v27 =	vadd.s32 s16, v22;
	v29 =	vperm.xlane v26, v12  }
0xda: {  	v63 =	vadd.s32 s16, v24;
	[tilespmem:$0x500] =	vst v28;
	v25 =	vor.u32 v13, v61;
	vm1 =	vlt.s32 v27, $0xFFE  }
0xdb: {  	[tilespmem:$0x600] =	vst v25;
	v27 =	vnsel vm1, $0xFFE, v27;
	vm1 =	vlt.s32 v62, $0xFFE;
	v29 =	vadd.s32 v18, v29  }
0xdc: {  	[tilespmem:$0x488] =	vst v25;
	v25 =	vor.u32 v13, v27;
	v27 =	vnsel vm1, $0xFFE, v62;
	vm1 =	vlt.s32 v63, $0xFFE  }
0xdd: {  	[tilespmem:$0x508] =	vst v25;
	v25 =	vnsel vm1, $0xFFE, v63;
	v27 =	vor.u32 v13, v27;
	v26 =	vperm.xlane v26, v19  }
0xde: {  	[tilespmem:$0x588] =	vst v27;
	v25 =	vor.u32 v13, v25  }
0xdf: {  	[tilespmem:$0x608] =	vst v25;
	v25 =	vadd.s32 v18, v26  }
0xe0: {  	[tilespmem:s14], [sflag:$0x2] =	stream.indirect_vreg.gather [hbm4b:s1+s3], $0x80, v29, vm0, $0xb8;
	[tilespmem:$0x1E800] =	vst v63  }
0xe1: {  	s26 =	simm.s32 $0x10000  }
0xe2: {  	[tilespmem:s26], [sflag:$0x2] =	stream.indirect_vreg.gather [hbm4b:s4+s3], $0x80, v29, vm0, $0xb8;
	[tilespmem:$0x1E800] =	vst v63  }
0xe3: {  	s26 =	simm.s32 $0x14800  }
0xe4: {  	[tilespmem:s26], [sflag:$0x2] =	stream.indirect_vreg.gather [hbm4b:s1+s3], $0x80, v25, vm0, $0xb8;
	[tilespmem:$0x1E800] =	vst v63  }
0xe5: {  	s26 =	simm.s32 $0x15000  }
0xe6: {  	[tilespmem:s26], [sflag:$0x2] =	stream.indirect_vreg.gather [hbm4b:s4+s3], $0x80, v25, vm0, $0xb8;
	[tilespmem:$0x1E800] =	vst v63  }
0xe7: {  	v25 =	vld.msk [tilespmem:$0x410], $0xff;
	_ =	sdelay $0x4  }
0xe8: {  	v26 =	vshll.u32 v25, $0x2  }
0xe9: {  	v25 =	vand.u32 $0x7, v25;
	v26 =	vand.u32 $0xFFFFFFE0, v26  }
0xea: {  	v25 =	vor.u32 v25, v26  }
0xeb: {  	v25 =	vperm.xlane v25, v12;
	_ =	sdelay $0x1  }
0xec: {  	v25 =	vadd.s32 v18, v25;
	_ =	sdelay $0x3  }
0xed: {  	s26 =	simm.s32 $0x19800  }
0xee: {  	[tilespmem:s26], [sflag:$0x2] =	stream.indirect_vreg.gather [hbm4b:s1+s3], $0x80, v25, vm0, $0xb8;
	[tilespmem:$0x1E800] =	vst v63  }
0xef: {  	s26 =	simm.s32 $0x1A000  }
0xf0: {  	[tilespmem:s26], [sflag:$0x2] =	stream.indirect_vreg.gather [hbm4b:s4+s3], $0x80, v25, vm0, $0xb8;
	[tilespmem:$0x1E800] =	vst v63  }
0xf1: {  	v25 =	vld [tilespmem:$0x480];
	_ =	sdelay $0x4  }
0xf2: {  	v26 =	vshll.u32 v25, $0x2  }
0xf3: {  	v25 =	vand.u32 $0x7, v25;
	v26 =	vand.u32 $0xFFFFFFE0, v26  }
0xf4: {  	v25 =	vor.u32 v25, v26  }
0xf5: {  	v26 =	vperm.xlane v25, v12;
	_ =	sdelay $0x1  }
0xf6: {  	v26 =	vadd.s32 v18, v26;
	_ =	sdelay $0x1  }
0xf7: {  	v25 =	vperm.xlane v25, v19;
	_ =	sdelay $0x1  }
0xf8: {  	s26 =	simm.s32 $0x10800;
	v25 =	vadd.s32 v18, v25  }
0xf9: {  	[tilespmem:s26], [sflag:$0x2] =	stream.indirect_vreg.gather [hbm4b:s1+s3], $0x80, v26, vm0, $0xb8;
	[tilespmem:$0x1E800] =	vst v63  }
0xfa: {  	s26 =	simm.s32 $0x11000  }
0xfb: {  	[tilespmem:s26], [sflag:$0x2] =	stream.indirect_vreg.gather [hbm4b:s4+s3], $0x80, v26, vm0, $0xb8;
	[tilespmem:$0x1E800] =	vst v63  }
0xfc: {  	s26 =	simm.s32 $0x15800  }
0xfd: {  	[tilespmem:s26], [sflag:$0x2] =	stream.indirect_vreg.gather [hbm4b:s1+s3], $0x80, v25, vm0, $0xb8;
	[tilespmem:$0x1E800] =	vst v63  }
0xfe: {  	s26 =	simm.s32 $0x16000  }
0xff: {  	[tilespmem:s26], [sflag:$0x2] =	stream.indirect_vreg.gather [hbm4b:s4+s3], $0x80, v25, vm0, $0xb8;
	[tilespmem:$0x1E800] =	vst v63  }
0x100: {  	v25 =	vld.msk [tilespmem:$0x490], $0xff;
	_ =	sdelay $0x4  }
0x101: {  	v26 =	vshll.u32 v25, $0x2  }
0x102: {  	v25 =	vand.u32 $0x7, v25;
	v26 =	vand.u32 $0xFFFFFFE0, v26  }
0x103: {  	v25 =	vor.u32 v25, v26  }
0x104: {  	v25 =	vperm.xlane v25, v12;
	_ =	sdelay $0x1  }
0x105: {  	v25 =	vadd.s32 v18, v25;
	_ =	sdelay $0x3  }
0x106: {  	s26 =	simm.s32 $0x1A800  }
0x107: {  	[tilespmem:s26], [sflag:$0x2] =	stream.indirect_vreg.gather [hbm4b:s1+s3], $0x80, v25, vm0, $0xb8;
	[tilespmem:$0x1E800] =	vst v63  }
0x108: {  	s26 =	simm.s32 $0x1B000  }
0x109: {  	[tilespmem:s26], [sflag:$0x2] =	stream.indirect_vreg.gather [hbm4b:s4+s3], $0x80, v25, vm0, $0xb8;
	[tilespmem:$0x1E800] =	vst v63  }
0x10a: {  	v25 =	vld [tilespmem:$0x500];
	_ =	sdelay $0x4  }
0x10b: {  	v26 =	vshll.u32 v25, $0x2  }
0x10c: {  	v25 =	vand.u32 $0x7, v25;
	v26 =	vand.u32 $0xFFFFFFE0, v26  }
0x10d: {  	v25 =	vor.u32 v25, v26  }
0x10e: {  	v26 =	vperm.xlane v25, v12;
	_ =	sdelay $0x1  }
0x10f: {  	v26 =	vadd.s32 v18, v26;
	_ =	sdelay $0x1  }
0x110: {  	v25 =	vperm.xlane v25, v19;
	_ =	sdelay $0x1  }
0x111: {  	v25 =	vadd.s32 v18, v25  }
0x112: {  	[tilespmem:s30], [sflag:$0x2] =	stream.indirect_vreg.gather [hbm4b:s1+s3], $0x80, v26, vm0, $0xb8;
	[tilespmem:$0x1E800] =	vst v63  }
0x113: {  	_ = 	snop  }
0x114: {  	[tilespmem:s31], [sflag:$0x2] =	stream.indirect_vreg.gather [hbm4b:s4+s3], $0x80, v26, vm0, $0xb8;
	[tilespmem:$0x1E800] =	vst v63  }
0x115: {  	_ = 	snop  }
0x116: {  	[tilespmem:s2], [sflag:$0x2] =	stream.indirect_vreg.gather [hbm4b:s1+s3], $0x80, v25, vm0, $0xb8;
	[tilespmem:$0x1E800] =	vst v63  }
0x117: {  	_ = 	snop  }
0x118: {  	[tilespmem:s21], [sflag:$0x2] =	stream.indirect_vreg.gather [hbm4b:s4+s3], $0x80, v25, vm0, $0xb8;
	[tilespmem:$0x1E800] =	vst v63  }
0x119: {  	v25 =	vld.msk [tilespmem:$0x510], $0xff;
	_ =	sdelay $0x4  }
0x11a: {  	v26 =	vshll.u32 v25, $0x2  }
0x11b: {  	v25 =	vand.u32 $0x7, v25;
	v26 =	vand.u32 $0xFFFFFFE0, v26  }
0x11c: {  	v25 =	vor.u32 v25, v26  }
0x11d: {  	v25 =	vperm.xlane v25, v12;
	_ =	sdelay $0x1  }
0x11e: {  	v25 =	vadd.s32 v18, v25;
	_ =	sdelay $0x4  }
0x11f: {  	[tilespmem:s22], [sflag:$0x2] =	stream.indirect_vreg.gather [hbm4b:s1+s3], $0x80, v25, vm0, $0xb8;
	[tilespmem:$0x1E800] =	vst v63  }
0x120: {  	_ = 	snop  }
0x121: {  	[tilespmem:s0], [sflag:$0x2] =	stream.indirect_vreg.gather [hbm4b:s4+s3], $0x80, v25, vm0, $0xb8;
	[tilespmem:$0x1E800] =	vst v63  }
0x122: {  	v25 =	vld [tilespmem:$0x580];
	_ =	sdelay $0x4  }
0x123: {  	v26 =	vshll.u32 v25, $0x2  }
0x124: {  	v25 =	vand.u32 $0x7, v25;
	v26 =	vand.u32 $0xFFFFFFE0, v26  }
0x125: {  	v25 =	vor.u32 v25, v26  }
0x126: {  	v26 =	vperm.xlane v25, v12;
	_ =	sdelay $0x1  }
0x127: {  	v26 =	vadd.s32 v18, v26;
	_ =	sdelay $0x1  }
0x128: {  	v25 =	vperm.xlane v25, v19;
	_ =	sdelay $0x1  }
0x129: {  	v25 =	vadd.s32 v18, v25  }
0x12a: {  	[tilespmem:s8], [sflag:$0x2] =	stream.indirect_vreg.gather [hbm4b:s1+s3], $0x80, v26, vm0, $0xb8;
	[tilespmem:$0x1E800] =	vst v63  }
0x12b: {  	_ = 	snop  }
0x12c: {  	[tilespmem:s11], [sflag:$0x2] =	stream.indirect_vreg.gather [hbm4b:s4+s3], $0x80, v26, vm0, $0xb8;
	[tilespmem:$0x1E800] =	vst v63  }
0x12d: {  	_ = 	snop  }
0x12e: {  	[tilespmem:s12], [sflag:$0x2] =	stream.indirect_vreg.gather [hbm4b:s1+s3], $0x80, v25, vm0, $0xb8;
	[tilespmem:$0x1E800] =	vst v63  }
0x12f: {  	_ = 	snop  }
0x130: {  	[tilespmem:s28], [sflag:$0x2] =	stream.indirect_vreg.gather [hbm4b:s4+s3], $0x80, v25, vm0, $0xb8;
	[tilespmem:$0x1E800] =	vst v63  }
0x131: {  	v25 =	vld.msk [tilespmem:$0x590], $0xff;
	_ =	sdelay $0x4  }
0x132: {  	v26 =	vshll.u32 v25, $0x2  }
0x133: {  	v25 =	vand.u32 $0x7, v25;
	v26 =	vand.u32 $0xFFFFFFE0, v26  }
0x134: {  	v25 =	vor.u32 v25, v26  }
0x135: {  	v25 =	vperm.xlane v25, v12;
	_ =	sdelay $0x1  }
0x136: {  	v25 =	vadd.s32 v18, v25;
	_ =	sdelay $0x4  }
0x137: {  	[tilespmem:s29], [sflag:$0x2] =	stream.indirect_vreg.gather [hbm4b:s1+s3], $0x80, v25, vm0, $0xb8;
	[tilespmem:$0x1E800] =	vst v63  }
0x138: {  	_ = 	snop  }
0x139: {  	[tilespmem:s13], [sflag:$0x2] =	stream.indirect_vreg.gather [hbm4b:s4+s3], $0x80, v25, vm0, $0xb8;
	[tilespmem:$0x1E800] =	vst v63  }
0x13a: {  	v25 =	vld [tilespmem:$0x600];
	_ =	sdelay $0x4  }
0x13b: {  	v26 =	vshll.u32 v25, $0x2  }
0x13c: {  	v25 =	vand.u32 $0x7, v25;
	v26 =	vand.u32 $0xFFFFFFE0, v26  }
0x13d: {  	v25 =	vor.u32 v25, v26  }
0x13e: {  	v26 =	vperm.xlane v25, v12;
	_ =	sdelay $0x1  }
0x13f: {  	v26 =	vadd.s32 v18, v26;
	_ =	sdelay $0x1  }
0x140: {  	v25 =	vperm.xlane v25, v19;
	_ =	sdelay $0x1  }
0x141: {  	v25 =	vadd.s32 v18, v25  }
0x142: {  	[tilespmem:s5], [sflag:$0x2] =	stream.indirect_vreg.gather [hbm4b:s1+s3], $0x80, v26, vm0, $0xb8;
	[tilespmem:$0x1E800] =	vst v63  }
0x143: {  	_ = 	snop  }
0x144: {  	[tilespmem:s6], [sflag:$0x2] =	stream.indirect_vreg.gather [hbm4b:s4+s3], $0x80, v26, vm0, $0xb8;
	[tilespmem:$0x1E800] =	vst v63  }
0x145: {  	_ = 	snop  }
0x146: {  	[tilespmem:s17], [sflag:$0x2] =	stream.indirect_vreg.gather [hbm4b:s1+s3], $0x80, v25, vm0, $0xb8;
	[tilespmem:$0x1E800] =	vst v63  }
0x147: {  	_ = 	snop  }
0x148: {  	[tilespmem:s18], [sflag:$0x2] =	stream.indirect_vreg.gather [hbm4b:s4+s3], $0x80, v25, vm0, $0xb8;
	[tilespmem:$0x1E800] =	vst v63  }
0x149: {  	v25 =	vld.msk [tilespmem:$0x610], $0xff;
	_ =	sdelay $0x4  }
0x14a: {  	v26 =	vshll.u32 v25, $0x2  }
0x14b: {  	v25 =	vand.u32 $0x7, v25;
	v26 =	vand.u32 $0xFFFFFFE0, v26  }
0x14c: {  	v25 =	vor.u32 v25, v26  }
0x14d: {  	v25 =	vperm.xlane v25, v12;
	_ =	sdelay $0x1  }
0x14e: {  	v25 =	vadd.s32 v18, v25;
	_ =	sdelay $0x4  }
0x14f: {  	[tilespmem:s19], [sflag:$0x2] =	stream.indirect_vreg.gather [hbm4b:s1+s3], $0x80, v25, vm0, $0xb8;
	[tilespmem:$0x1E800] =	vst v63  }
0x150: {  	_ = 	snop  }
0x151: {  	[tilespmem:s10], [sflag:$0x2] =	stream.indirect_vreg.gather [hbm4b:s4+s3], $0x80, v25, vm0, $0xb8;
	[tilespmem:$0x1E800] =	vst v63  }
0x152: {  	_ =	swait.ge [sflag:s20], $0x3000  }
0x153: {  	[sflag:s20] =	ssyncset.done $0x0  }
0x154: {  	[sflag:s20] =	ssyncadd.s32 $0xFFFFD000  }
0x155: {  	_ =	swait.ge [sflag:s20], $0x3000  }
0x156: {  	[sflag:s20] =	ssyncset.done $0x0  }
0x157: {  	[sflag:s20] =	ssyncadd.s32 $0xFFFFD000  }
0x158: {  	_ =	swait.ge [sflag:s20], $0x3000  }
0x159: {  	[sflag:s20] =	ssyncset.done $0x0  }
0x15a: {  	[sflag:s20] =	ssyncadd.s32 $0xFFFFD000  }
0x15b: {  	_ =	swait.ge [sflag:s20], $0x3000  }
0x15c: {  	p1 =	seq.s32 s15, $0x2D0000;
	[sflag:s20] =	ssyncset.done $0x0  }
.Ltmp4:
0x15d: {  	[sflag:s20] =	ssyncadd.s32 $0xFFFFD000;
	(pc) =	sbr.rel @p1 .LBB2_4-.Ltmp4, $4  }
0x15e: {  	_ =	swait.ge [sflag:s20], $0x3000  }
0x15f: {  	[sflag:s20] =	ssyncset.done $0x0  }
0x160: {  	s16 =	sadd.s32 s15, s7;
	[sflag:s20] =	ssyncadd.s32 $0xFFFFD000  }
0x161: {  	[hbm4b:s16+s3] =	stream.linear.scatter [tilespmem:s9], [sflag:$0x3], $0xF000, $0x38;
	[tilespmem:$0x1E800] =	vst v63  }
0x162: {  	s26 =	sadd.s32 $0x240, s25  }
0x163: {  	v25 =	vadd.s32 s26, v1  }
0x164: {  	vm1 =	vgt.s32 v25, $0x0  }
0x165: {  	_ =	swait.ge [sflag:s24], $0xF000;
	v26 =	vadd.s32 s26, v20;
	v25 =	vnsel vm1, $0x0, v25  }
0x166: {  	[sflag:s24] =	ssyncset.done $0x0;
	vm1 =	vlt.s32 v26, $0xFFE;
	v25 =	vmin.u32 v25, $0xFFE  }
0x167: {  	[sflag:s24] =	ssyncadd.s32 $0xFFFF1000;
	v26 =	vnsel vm1, $0xFFE, v26;
	v25 =	vor.u32 v13, v25  }
0x168: {  	[tilespmem:$0x0] =	vst v25;
	v25 =	vor.u32 v13, v26  }
0x169: {  	[tilespmem:$0x8] =	vst v25  }
0x16a: {  	v27 =	vld [tilespmem:$0x0];
	_ =	sdelay $0x1  }
0x16b: {  	v26 =	vadd.s32 s26, v2  }
0x16c: {  	v28 =	vadd.s32 s26, v0;
	v29 =	vadd.s32 s26, v21;
	vm1 =	vgt.s32 v26, $0x0  }
0x16d: {  	v62 =	vadd.s32 s26, v23;
	v26 =	vnsel vm1, $0x0, v26;
	vm1 =	vlt.s32 v28, $0xFFE  }
0x16e: {  	v26 =	vmin.u32 v26, $0xFFE;
	v28 =	vnsel vm1, $0xFFE, v28;
	v30 =	vshll.u32 v27, $0x2  }
0x16f: {  	v26 =	vor.u32 v13, v26;
	v27 =	vand.u32 $0x7, v27;
	v30 =	vand.u32 $0xFFFFFFE0, v30  }
0x170: {  	vm1 =	vlt.s32 v29, $0xFFE;
	[tilespmem:$0x80] =	vst v26;
	v26 =	vor.u32 v13, v28;
	v27 =	vor.u32 v27, v30  }
0x171: {  	v61 =	vnsel vm1, $0xFFE, v29;
	[tilespmem:$0x100] =	vst v26;
	v26 =	vadd.s32 s26, v22;
	v30 =	vperm.xlane v27, v12  }
0x172: {  	v31 =	vadd.s32 s26, v24;
	[tilespmem:$0x180] =	vst v25;
	v25 =	vor.u32 v13, v61;
	vm1 =	vlt.s32 v26, $0xFFE  }
0x173: {  	[tilespmem:$0x200] =	vst v25;
	v26 =	vnsel vm1, $0xFFE, v26;
	vm1 =	vlt.s32 v62, $0xFFE;
	v63 =	vadd.s32 v18, v30  }
0x174: {  	[tilespmem:$0x88] =	vst v25;
	v25 =	vor.u32 v13, v26;
	v26 =	vnsel vm1, $0xFFE, v62;
	vm1 =	vlt.s32 v31, $0xFFE  }
0x175: {  	[tilespmem:$0x108] =	vst v25;
	v25 =	vnsel vm1, $0xFFE, v31;
	v26 =	vor.u32 v13, v26;
	v27 =	vperm.xlane v27, v19  }
0x176: {  	[tilespmem:$0x188] =	vst v26;
	v25 =	vor.u32 v13, v25  }
0x177: {  	[tilespmem:$0x208] =	vst v25;
	v25 =	vadd.s32 v18, v27  }
0x178: {  	[tilespmem:s9], [sflag:$0x1] =	stream.indirect_vreg.gather [hbm4b:s1+s3], $0x80, v63, vm0, $0xb8;
	[tilespmem:$0x1E800] =	vst v63  }
0x179: {  	s26 =	simm.s32 $0x1000  }
0x17a: {  	[tilespmem:s26], [sflag:$0x1] =	stream.indirect_vreg.gather [hbm4b:s4+s3], $0x80, v63, vm0, $0xb8;
	[tilespmem:$0x1E800] =	vst v63  }
0x17b: {  	s26 =	simm.s32 $0x5800  }
0x17c: {  	[tilespmem:s26], [sflag:$0x1] =	stream.indirect_vreg.gather [hbm4b:s1+s3], $0x80, v25, vm0, $0xb8;
	[tilespmem:$0x1E800] =	vst v63  }
0x17d: {  	s26 =	simm.s32 $0x6000  }
0x17e: {  	[tilespmem:s26], [sflag:$0x1] =	stream.indirect_vreg.gather [hbm4b:s4+s3], $0x80, v25, vm0, $0xb8;
	[tilespmem:$0x1E800] =	vst v63  }
0x17f: {  	v25 =	vld.msk [tilespmem:$0x10], $0xff;
	_ =	sdelay $0x4  }
0x180: {  	v26 =	vshll.u32 v25, $0x2  }
0x181: {  	v25 =	vand.u32 $0x7, v25;
	v26 =	vand.u32 $0xFFFFFFE0, v26  }
0x182: {  	v25 =	vor.u32 v25, v26  }
0x183: {  	v25 =	vperm.xlane v25, v12;
	_ =	sdelay $0x1  }
0x184: {  	v25 =	vadd.s32 v18, v25;
	_ =	sdelay $0x3  }
0x185: {  	s26 =	simm.s32 $0xA800  }
0x186: {  	[tilespmem:s26], [sflag:$0x1] =	stream.indirect_vreg.gather [hbm4b:s1+s3], $0x80, v25, vm0, $0xb8;
	[tilespmem:$0x1E800] =	vst v63  }
0x187: {  	s26 =	simm.s32 $0xB000  }
0x188: {  	[tilespmem:s26], [sflag:$0x1] =	stream.indirect_vreg.gather [hbm4b:s4+s3], $0x80, v25, vm0, $0xb8;
	[tilespmem:$0x1E800] =	vst v63  }
0x189: {  	v25 =	vld [tilespmem:$0x80];
	_ =	sdelay $0x4  }
0x18a: {  	v26 =	vshll.u32 v25, $0x2  }
0x18b: {  	v25 =	vand.u32 $0x7, v25;
	v26 =	vand.u32 $0xFFFFFFE0, v26  }
0x18c: {  	v25 =	vor.u32 v25, v26  }
0x18d: {  	v26 =	vperm.xlane v25, v12;
	_ =	sdelay $0x1  }
0x18e: {  	v26 =	vadd.s32 v18, v26;
	_ =	sdelay $0x1  }
0x18f: {  	v25 =	vperm.xlane v25, v19;
	_ =	sdelay $0x1  }
0x190: {  	s26 =	simm.s32 $0x1800;
	v25 =	vadd.s32 v18, v25  }
0x191: {  	[tilespmem:s26], [sflag:$0x1] =	stream.indirect_vreg.gather [hbm4b:s1+s3], $0x80, v26, vm0, $0xb8;
	[tilespmem:$0x1E800] =	vst v63  }
0x192: {  	s26 =	simm.s32 $0x2000  }
0x193: {  	[tilespmem:s26], [sflag:$0x1] =	stream.indirect_vreg.gather [hbm4b:s4+s3], $0x80, v26, vm0, $0xb8;
	[tilespmem:$0x1E800] =	vst v63  }
0x194: {  	s26 =	simm.s32 $0x6800  }
0x195: {  	[tilespmem:s26], [sflag:$0x1] =	stream.indirect_vreg.gather [hbm4b:s1+s3], $0x80, v25, vm0, $0xb8;
	[tilespmem:$0x1E800] =	vst v63  }
0x196: {  	s26 =	simm.s32 $0x7000  }
0x197: {  	[tilespmem:s26], [sflag:$0x1] =	stream.indirect_vreg.gather [hbm4b:s4+s3], $0x80, v25, vm0, $0xb8;
	[tilespmem:$0x1E800] =	vst v63  }
0x198: {  	v25 =	vld.msk [tilespmem:$0x90], $0xff;
	_ =	sdelay $0x4  }
0x199: {  	v26 =	vshll.u32 v25, $0x2  }
0x19a: {  	v25 =	vand.u32 $0x7, v25;
	v26 =	vand.u32 $0xFFFFFFE0, v26  }
0x19b: {  	v25 =	vor.u32 v25, v26  }
0x19c: {  	v25 =	vperm.xlane v25, v12;
	_ =	sdelay $0x1  }
0x19d: {  	v25 =	vadd.s32 v18, v25;
	_ =	sdelay $0x3  }
0x19e: {  	s26 =	simm.s32 $0xB800  }
0x19f: {  	[tilespmem:s26], [sflag:$0x1] =	stream.indirect_vreg.gather [hbm4b:s1+s3], $0x80, v25, vm0, $0xb8;
	[tilespmem:$0x1E800] =	vst v63  }
0x1a0: {  	s26 =	simm.s32 $0xC000  }
0x1a1: {  	[tilespmem:s26], [sflag:$0x1] =	stream.indirect_vreg.gather [hbm4b:s4+s3], $0x80, v25, vm0, $0xb8;
	[tilespmem:$0x1E800] =	vst v63  }
0x1a2: {  	v25 =	vld [tilespmem:$0x100];
	_ =	sdelay $0x4  }
0x1a3: {  	v26 =	vshll.u32 v25, $0x2  }
0x1a4: {  	v25 =	vand.u32 $0x7, v25;
	v26 =	vand.u32 $0xFFFFFFE0, v26  }
0x1a5: {  	v25 =	vor.u32 v25, v26  }
0x1a6: {  	v26 =	vperm.xlane v25, v12;
	_ =	sdelay $0x1  }
0x1a7: {  	v26 =	vadd.s32 v18, v26;
	_ =	sdelay $0x1  }
0x1a8: {  	v25 =	vperm.xlane v25, v19;
	_ =	sdelay $0x1  }
0x1a9: {  	s26 =	simm.s32 $0x2800;
	v25 =	vadd.s32 v18, v25  }
0x1aa: {  	[tilespmem:s26], [sflag:$0x1] =	stream.indirect_vreg.gather [hbm4b:s1+s3], $0x80, v26, vm0, $0xb8;
	[tilespmem:$0x1E800] =	vst v63  }
0x1ab: {  	s26 =	simm.s32 $0x3000  }
0x1ac: {  	[tilespmem:s26], [sflag:$0x1] =	stream.indirect_vreg.gather [hbm4b:s4+s3], $0x80, v26, vm0, $0xb8;
	[tilespmem:$0x1E800] =	vst v63  }
0x1ad: {  	s26 =	simm.s32 $0x7800  }
0x1ae: {  	[tilespmem:s26], [sflag:$0x1] =	stream.indirect_vreg.gather [hbm4b:s1+s3], $0x80, v25, vm0, $0xb8;
	[tilespmem:$0x1E800] =	vst v63  }
0x1af: {  	s26 =	simm.s32 $0x8000  }
0x1b0: {  	[tilespmem:s26], [sflag:$0x1] =	stream.indirect_vreg.gather [hbm4b:s4+s3], $0x80, v25, vm0, $0xb8;
	[tilespmem:$0x1E800] =	vst v63  }
0x1b1: {  	v25 =	vld.msk [tilespmem:$0x110], $0xff;
	_ =	sdelay $0x4  }
0x1b2: {  	v26 =	vshll.u32 v25, $0x2  }
0x1b3: {  	v25 =	vand.u32 $0x7, v25;
	v26 =	vand.u32 $0xFFFFFFE0, v26  }
0x1b4: {  	v25 =	vor.u32 v25, v26  }
0x1b5: {  	v25 =	vperm.xlane v25, v12;
	_ =	sdelay $0x1  }
0x1b6: {  	v25 =	vadd.s32 v18, v25;
	_ =	sdelay $0x3  }
0x1b7: {  	s26 =	simm.s32 $0xC800  }
0x1b8: {  	[tilespmem:s26], [sflag:$0x1] =	stream.indirect_vreg.gather [hbm4b:s1+s3], $0x80, v25, vm0, $0xb8;
	[tilespmem:$0x1E800] =	vst v63  }
0x1b9: {  	s26 =	simm.s32 $0xD000  }
0x1ba: {  	[tilespmem:s26], [sflag:$0x1] =	stream.indirect_vreg.gather [hbm4b:s4+s3], $0x80, v25, vm0, $0xb8;
	[tilespmem:$0x1E800] =	vst v63  }
0x1bb: {  	v25 =	vld [tilespmem:$0x180];
	_ =	sdelay $0x4  }
0x1bc: {  	v26 =	vshll.u32 v25, $0x2  }
0x1bd: {  	v25 =	vand.u32 $0x7, v25;
	v26 =	vand.u32 $0xFFFFFFE0, v26  }
0x1be: {  	v25 =	vor.u32 v25, v26  }
0x1bf: {  	v26 =	vperm.xlane v25, v12;
	_ =	sdelay $0x1  }
0x1c0: {  	v26 =	vadd.s32 v18, v26;
	_ =	sdelay $0x1  }
0x1c1: {  	v25 =	vperm.xlane v25, v19;
	_ =	sdelay $0x1  }
0x1c2: {  	s26 =	simm.s32 $0x3800;
	v25 =	vadd.s32 v18, v25  }
0x1c3: {  	[tilespmem:s26], [sflag:$0x1] =	stream.indirect_vreg.gather [hbm4b:s1+s3], $0x80, v26, vm0, $0xb8;
	[tilespmem:$0x1E800] =	vst v63  }
0x1c4: {  	s26 =	simm.s32 $0x4000  }
0x1c5: {  	[tilespmem:s26], [sflag:$0x1] =	stream.indirect_vreg.gather [hbm4b:s4+s3], $0x80, v26, vm0, $0xb8;
	[tilespmem:$0x1E800] =	vst v63  }
0x1c6: {  	s26 =	simm.s32 $0x8800  }
0x1c7: {  	[tilespmem:s26], [sflag:$0x1] =	stream.indirect_vreg.gather [hbm4b:s1+s3], $0x80, v25, vm0, $0xb8;
	[tilespmem:$0x1E800] =	vst v63  }
0x1c8: {  	s26 =	simm.s32 $0x9000  }
0x1c9: {  	[tilespmem:s26], [sflag:$0x1] =	stream.indirect_vreg.gather [hbm4b:s4+s3], $0x80, v25, vm0, $0xb8;
	[tilespmem:$0x1E800] =	vst v63  }
0x1ca: {  	v25 =	vld.msk [tilespmem:$0x190], $0xff;
	_ =	sdelay $0x4  }
0x1cb: {  	v26 =	vshll.u32 v25, $0x2  }
0x1cc: {  	v25 =	vand.u32 $0x7, v25;
	v26 =	vand.u32 $0xFFFFFFE0, v26  }
0x1cd: {  	v25 =	vor.u32 v25, v26  }
0x1ce: {  	v25 =	vperm.xlane v25, v12;
	_ =	sdelay $0x1  }
0x1cf: {  	v25 =	vadd.s32 v18, v25;
	_ =	sdelay $0x3  }
0x1d0: {  	s26 =	simm.s32 $0xD800  }
0x1d1: {  	[tilespmem:s26], [sflag:$0x1] =	stream.indirect_vreg.gather [hbm4b:s1+s3], $0x80, v25, vm0, $0xb8;
	[tilespmem:$0x1E800] =	vst v63  }
0x1d2: {  	s26 =	simm.s32 $0xE000  }
0x1d3: {  	[tilespmem:s26], [sflag:$0x1] =	stream.indirect_vreg.gather [hbm4b:s4+s3], $0x80, v25, vm0, $0xb8;
	[tilespmem:$0x1E800] =	vst v63  }
0x1d4: {  	v25 =	vld [tilespmem:$0x200];
	_ =	sdelay $0x4  }
0x1d5: {  	v26 =	vshll.u32 v25, $0x2  }
0x1d6: {  	v25 =	vand.u32 $0x7, v25;
	v26 =	vand.u32 $0xFFFFFFE0, v26  }
0x1d7: {  	v25 =	vor.u32 v25, v26  }
0x1d8: {  	v26 =	vperm.xlane v25, v12;
	_ =	sdelay $0x1  }
0x1d9: {  	v26 =	vadd.s32 v18, v26;
	_ =	sdelay $0x1  }
0x1da: {  	v25 =	vperm.xlane v25, v19;
	_ =	sdelay $0x1  }
0x1db: {  	s26 =	simm.s32 $0x4800;
	v25 =	vadd.s32 v18, v25  }
0x1dc: {  	[tilespmem:s26], [sflag:$0x1] =	stream.indirect_vreg.gather [hbm4b:s1+s3], $0x80, v26, vm0, $0xb8;
	[tilespmem:$0x1E800] =	vst v63  }
0x1dd: {  	s26 =	simm.s32 $0x5000  }
0x1de: {  	[tilespmem:s26], [sflag:$0x1] =	stream.indirect_vreg.gather [hbm4b:s4+s3], $0x80, v26, vm0, $0xb8;
	[tilespmem:$0x1E800] =	vst v63  }
0x1df: {  	s26 =	simm.s32 $0x9800  }
0x1e0: {  	[tilespmem:s26], [sflag:$0x1] =	stream.indirect_vreg.gather [hbm4b:s1+s3], $0x80, v25, vm0, $0xb8;
	[tilespmem:$0x1E800] =	vst v63  }
0x1e1: {  	s26 =	simm.s32 $0xA000  }
0x1e2: {  	[tilespmem:s26], [sflag:$0x1] =	stream.indirect_vreg.gather [hbm4b:s4+s3], $0x80, v25, vm0, $0xb8;
	[tilespmem:$0x1E800] =	vst v63  }
0x1e3: {  	v25 =	vld.msk [tilespmem:$0x210], $0xff;
	_ =	sdelay $0x4  }
0x1e4: {  	v26 =	vshll.u32 v25, $0x2  }
0x1e5: {  	v25 =	vand.u32 $0x7, v25;
	v26 =	vand.u32 $0xFFFFFFE0, v26  }
0x1e6: {  	v25 =	vor.u32 v25, v26  }
0x1e7: {  	v25 =	vperm.xlane v25, v12;
	_ =	sdelay $0x1  }
0x1e8: {  	v25 =	vadd.s32 v18, v25;
	_ =	sdelay $0x2  }
.Ltmp5:
0x1e9: {  	_ = 	snop;
	(pc) =	sbr.rel .LBB2_4-.Ltmp5, $4  }
0x1ea: {  	s26 =	simm.s32 $0xE800  }
0x1eb: {  	[tilespmem:s26], [sflag:$0x1] =	stream.indirect_vreg.gather [hbm4b:s1+s3], $0x80, v25, vm0, $0xb8;
	[tilespmem:$0x1E800] =	vst v63  }
0x1ec: {  	s26 =	simm.s32 $0xF000  }
0x1ed: {  	[tilespmem:s26], [sflag:$0x1] =	stream.indirect_vreg.gather [hbm4b:s4+s3], $0x80, v25, vm0, $0xb8;
	[tilespmem:$0x1E800] =	vst v63  }
.LBB2_5:
0x1ee: {  	s15 =	simm.s32 $0x4  }
0x1ef: {  	_ =	swait.ge [sflag:s15], $0xF000  }
.Ltmp6:
0x1f0: {  	[sflag:s15] =	ssyncset.done $0x0;
	(pc) =	sbr.rel @p0 .LBB2_7-.Ltmp6, $4  }
0x1f1: {  	[sflag:s15] =	ssyncadd.s32 $0xFFFF1000  }
0x1f2: {  	_ =	swait.ge [sflag:s24], $0xF000  }
0x1f3: {  	[sflag:s24] =	ssyncset.done $0x0  }
0x1f4: {  	s16 =	rddreg [dreg:$0x6];
	[sflag:s24] =	ssyncadd.s32 $0xFFFF1000  }
0x1f5: {  	[tilespmem:$0x0] =	vst v9  }
0x1f6: {  	v25 =	vld.msk [tilespmem:$0x0], $0xff;
	_ =	sdelay $0x4  }
0x1f7: {  	v26 =	vshll.u32 v25, $0x2  }
0x1f8: {  	v25 =	vand.u32 $0x7, v25;
	v26 =	vand.u32 $0xFFFFFFE0, v26  }
0x1f9: {  	v25 =	vor.u32 v25, v26  }
0x1fa: {  	v25 =	vperm.xlane v25, v12;
	_ =	sdelay $0x1  }
0x1fb: {  	v25 =	vadd.s32 v18, v25  }
0x1fc: {  	[tilespmem:$0x80] =	vst v10  }
0x1fd: {  	[tilespmem:$0x100] =	vst v11  }
0x1fe: {  	[tilespmem:$0x180] =	vst v14  }
0x1ff: {  	[tilespmem:$0x200] =	vst v15  }
0x200: {  	[tilespmem:s9], [sflag:$0x1] =	stream.indirect_vreg.gather [hbm4b:s1+s3], $0x80, v25, vm0, $0xb8;
	[tilespmem:$0x1E800] =	vst v63  }
0x201: {  	s15 =	simm.s32 $0x1000  }
0x202: {  	[tilespmem:s15], [sflag:$0x1] =	stream.indirect_vreg.gather [hbm4b:s4+s3], $0x80, v25, vm0, $0xb8;
	[tilespmem:$0x1E800] =	vst v63  }
0x203: {  	v25 =	vld.msk [tilespmem:$0x80], $0xff;
	_ =	sdelay $0x4  }
0x204: {  	v26 =	vshll.u32 v25, $0x2  }
0x205: {  	v25 =	vand.u32 $0x7, v25;
	v26 =	vand.u32 $0xFFFFFFE0, v26  }
0x206: {  	v25 =	vor.u32 v25, v26  }
0x207: {  	v25 =	vperm.xlane v25, v12;
	_ =	sdelay $0x1  }
0x208: {  	v25 =	vadd.s32 v18, v25;
	_ =	sdelay $0x3  }
0x209: {  	s26 =	simm.s32 $0x1800  }
0x20a: {  	[tilespmem:s26], [sflag:$0x1] =	stream.indirect_vreg.gather [hbm4b:s1+s3], $0x80, v25, vm0, $0xb8;
	[tilespmem:$0x1E800] =	vst v63  }
0x20b: {  	s25 =	simm.s32 $0x2000  }
0x20c: {  	[tilespmem:s25], [sflag:$0x1] =	stream.indirect_vreg.gather [hbm4b:s4+s3], $0x80, v25, vm0, $0xb8;
	[tilespmem:$0x1E800] =	vst v63  }
0x20d: {  	v25 =	vld.msk [tilespmem:$0x100], $0xff;
	_ =	sdelay $0x4  }
0x20e: {  	v26 =	vshll.u32 v25, $0x2  }
0x20f: {  	v25 =	vand.u32 $0x7, v25;
	v26 =	vand.u32 $0xFFFFFFE0, v26  }
0x210: {  	v25 =	vor.u32 v25, v26  }
0x211: {  	v25 =	vperm.xlane v25, v12;
	_ =	sdelay $0x1  }
0x212: {  	v25 =	vadd.s32 v18, v25;
	_ =	sdelay $0x3  }
0x213: {  	s26 =	simm.s32 $0x2800  }
0x214: {  	[tilespmem:s26], [sflag:$0x1] =	stream.indirect_vreg.gather [hbm4b:s1+s3], $0x80, v25, vm0, $0xb8;
	[tilespmem:$0x1E800] =	vst v63  }
0x215: {  	s25 =	simm.s32 $0x3000  }
0x216: {  	[tilespmem:s25], [sflag:$0x1] =	stream.indirect_vreg.gather [hbm4b:s4+s3], $0x80, v25, vm0, $0xb8;
	[tilespmem:$0x1E800] =	vst v63  }
0x217: {  	v25 =	vld.msk [tilespmem:$0x180], $0xff;
	_ =	sdelay $0x4  }
0x218: {  	v26 =	vshll.u32 v25, $0x2  }
0x219: {  	v25 =	vand.u32 $0x7, v25;
	v26 =	vand.u32 $0xFFFFFFE0, v26  }
0x21a: {  	v25 =	vor.u32 v25, v26  }
0x21b: {  	v25 =	vperm.xlane v25, v12;
	_ =	sdelay $0x1  }
0x21c: {  	v25 =	vadd.s32 v18, v25;
	_ =	sdelay $0x3  }
0x21d: {  	s26 =	simm.s32 $0x3800  }
0x21e: {  	[tilespmem:s26], [sflag:$0x1] =	stream.indirect_vreg.gather [hbm4b:s1+s3], $0x80, v25, vm0, $0xb8;
	[tilespmem:$0x1E800] =	vst v63  }
0x21f: {  	s25 =	simm.s32 $0x4000  }
0x220: {  	[tilespmem:s25], [sflag:$0x1] =	stream.indirect_vreg.gather [hbm4b:s4+s3], $0x80, v25, vm0, $0xb8;
	[tilespmem:$0x1E800] =	vst v63  }
0x221: {  	v25 =	vld.msk [tilespmem:$0x200], $0xff;
	_ =	sdelay $0x4  }
0x222: {  	v26 =	vshll.u32 v25, $0x2  }
0x223: {  	v25 =	vand.u32 $0x7, v25;
	v26 =	vand.u32 $0xFFFFFFE0, v26  }
0x224: {  	v25 =	vor.u32 v25, v26  }
0x225: {  	v25 =	vperm.xlane v25, v12;
	_ =	sdelay $0x1  }
0x226: {  	v25 =	vadd.s32 v18, v25;
	_ =	sdelay $0x3  }
0x227: {  	s26 =	simm.s32 $0x4800  }
0x228: {  	[tilespmem:s26], [sflag:$0x1] =	stream.indirect_vreg.gather [hbm4b:s1+s3], $0x80, v25, vm0, $0xb8;
	[tilespmem:$0x1E800] =	vst v63  }
0x229: {  	s25 =	simm.s32 $0x5000  }
0x22a: {  	[tilespmem:s25], [sflag:$0x1] =	stream.indirect_vreg.gather [hbm4b:s4+s3], $0x80, v25, vm0, $0xb8;
	[tilespmem:$0x1E800] =	vst v63  }
0x22b: {  	_ =	swait.ge [sflag:s20], $0x1000  }
0x22c: {  	[sflag:s20] =	ssyncset.done $0x0  }
0x22d: {  	[sflag:s20] =	ssyncadd.s32 $0xFFFFF000  }
0x22e: {  	_ =	swait.ge [sflag:s20], $0x1000  }
0x22f: {  	[sflag:s20] =	ssyncset.done $0x0  }
0x230: {  	[sflag:s20] =	ssyncadd.s32 $0xFFFFF000  }
0x231: {  	_ =	swait.ge [sflag:s20], $0x1000  }
0x232: {  	[sflag:s20] =	ssyncset.done $0x0  }
0x233: {  	[sflag:s20] =	ssyncadd.s32 $0xFFFFF000  }
0x234: {  	_ =	swait.ge [sflag:s20], $0x1000  }
0x235: {  	[sflag:s20] =	ssyncset.done $0x0  }
0x236: {  	[sflag:s20] =	ssyncadd.s32 $0xFFFFF000  }
0x237: {  	_ =	swait.ge [sflag:s20], $0x1000  }
0x238: {  	[sflag:s20] =	ssyncset.done $0x0  }
.Ltmp7:
0x239: {  	s26 =	rddreg [dreg:$0x3];
	[sflag:s20] =	ssyncadd.s32 $0xFFFFF000;
	(pc) =	sbr.rel .LBB2_7-.Ltmp7, $4  }
0x23a: {  	[hbm4b:s26+s3] =	stream.linear.scatter [tilespmem:s9], [sflag:$0x3], $0x5000, $0x38;
	[tilespmem:$0x1E800] =	vst v63  }
0x23b: {  	_ =	swait.ge [sflag:s24], $0x5000  }
0x23c: {  	[sflag:s24] =	ssyncset.done $0x0  }
0x23d: {  	[sflag:s24] =	ssyncadd.s32 $0xFFFFB000  }
.LBB2_8:
0x23e: {  	_ =	sfence.sel $0x180000  }
0x23f: {  	[bflag:$0x0] =	sbarrier.arrive $0xFFFF  }
0x240: {  	_ =	strace $0x90000047  }
0x241: {  	s0 =	stileid.u32;
	[bflag:$0x2] =	sbarrier.arrive $0xFFFF  }
0x242: {  	p0 =	sne.s32 s0, $0x0;
	s0 =	rddreg [dreg:$0x2]  }
0x243: {  	s0 =	sadd.s32 @!p0 $0x100000, s0  }
0x244: {  	[sflag:s0] =	ssyncadd.tile.s32 @!p0 $0x1;
	_ =	shalt  }
.Lfunc_end2:
_tile_overlayer_lowered:
.L_overlay_start_2:
0x245: {  	(tag) =	ssettag $0x2  }
0x246: {  	s0 =	rddreg [dreg:$0x0];
	s2 =	stileid.u32  }
0x247: {  	s1 =	rddreg [dreg:$0x1];
	p0 =	sne.s32 s2, $0x0  }
0x248: {  	s3 =	rddreg [dreg:$0x2];
	[bflag:$0x3] =	sbarrier.arrive $0xFFFF;
	s2 =	simm.s32 @!p0 $0x1C05  }
0x249: {  	[timem:s3], [sflag:s2] =	dma.local @!p0 [hbm:s0], s1  }
0x24a: {  	s0 =	simm.s32 @!p0 $0x5  }
0x24b: {  	_ =	swait.ge @!p0 [sflag:s0], s1  }
0x24c: {  	s1 =	ssub.s32 @!p0 $0x0, s1;
	[sflag:s0] =	ssyncset.done @!p0 $0x0  }
0x24d: {  	[sflag:s0] =	ssyncadd.s32 @!p0 s1  }
0x24e: {  	[bflag:$0x3] =	sbarrier.arrive $0xFFFF  }
0x24f: {  	_ =	shalt  }

</sc_bundles>
